<compile_context>
chip_gen: v7x
topology: tpu7x:2x2x1
jax: 0.10.2.dev20260603
libtpu: 0.0.44.dev20260713+nightly
codegen_flags: <defaults>
</compile_context>

<pallas_src>
import functools

import jax
import jax.numpy as jnp
from jax import lax
from jax.experimental import pallas as pl
from jax.experimental.pallas import tpu as pltpu
from jax.experimental.pallas import tpu_sc as plsc

HIDDEN = 128
E = 320000
VOCAB = 100
NUM_CORES = 2
NUM_SUBCORES = 16
NUM_WORKERS = NUM_CORES * NUM_SUBCORES
PER_WORKER = E // NUM_WORKERS
CHUNK = 80
NUM_CHUNKS = PER_WORKER // CHUNK
LANES = 16

_mesh = plsc.VectorSubcoreMesh(core_axis_name="c", subcore_axis_name="s")


@functools.partial(
    pl.kernel,
    mesh=_mesh,
    out_type=jax.ShapeDtypeStruct((E, HIDDEN), jnp.float32),
    scratch_types=[
        pltpu.VMEM((PER_WORKER,), jnp.int32),
        pltpu.VMEM((PER_WORKER,), jnp.int32),
        pltpu.VMEM((PER_WORKER,), jnp.int32),
        pltpu.VMEM((CHUNK,), jnp.int32),
        pltpu.VMEM((CHUNK,), jnp.int32),
        pltpu.VMEM((CHUNK, HIDDEN), jnp.float32),
        pltpu.VMEM((CHUNK, HIDDEN), jnp.float32),
        pltpu.VMEM((CHUNK, HIDDEN), jnp.float32),
        pltpu.VMEM((CHUNK, HIDDEN), jnp.float32),
        pltpu.VMEM((CHUNK, HIDDEN), jnp.float32),
        pltpu.VMEM((CHUNK, HIDDEN), jnp.float32),
        pltpu.VMEM_SHARED((VOCAB, HIDDEN), jnp.float32),
        pltpu.VMEM_SHARED((VOCAB, HIDDEN), jnp.float32),
        pltpu.VMEM_SHARED((VOCAB, HIDDEN), jnp.float32),
        pltpu.VMEM_SHARED((2 * NUM_SUBCORES * CHUNK, HIDDEN), jnp.float32),
        pltpu.SemaphoreType.DMA,
        pltpu.SemaphoreType.DMA,
        pltpu.SemaphoreType.DMA,
        pltpu.SemaphoreType.DMA,
        pltpu.SemaphoreType.DMA,
        pltpu.SemaphoreType.DMA,
        pltpu.SemaphoreType.DMA,
        pltpu.SemaphoreType.DMA,
    ],
)
def _bond_encoder_sc(i0_hbm, i1_hbm, i2_hbm, t0_hbm, t1_hbm, t2_hbm,
                     out_hbm, i0_v, i1_v, i2_v, ids0_v, ids1_v,
                     a0_v, a1_v, a2_v, c0_v, c1_v, c2_v,
                     tab0_sh, tab1_sh, tab2_sh, acc_sh,
                     ga0, ga1, ga2, gb0, gb1, gb2, w0, w1):
    sid = lax.axis_index("s")
    wid = sid * NUM_CORES + lax.axis_index("c")
    base = wid * PER_WORKER

    bufs = ((a0_v, a1_v, a2_v), (c0_v, c1_v, c2_v))
    gsems = ((ga0, ga1, ga2), (gb0, gb1, gb2))
    wsems = (w0, w1)
    idx_v = (i0_v, i1_v, i2_v)
    tabs = (tab0_sh, tab1_sh, tab2_sh)
    ids_v = (ids0_v, ids1_v)

    @pl.when(sid == 0)
    def _stage():
        pltpu.sync_copy(t0_hbm, tab0_sh)
        pltpu.sync_copy(t1_hbm, tab1_sh)
        pltpu.sync_copy(t2_hbm, tab2_sh)

    pltpu.sync_copy(i0_hbm.at[pl.ds(base, PER_WORKER)], i0_v)
    pltpu.sync_copy(i1_hbm.at[pl.ds(base, PER_WORKER)], i1_v)
    pltpu.sync_copy(i2_hbm.at[pl.ds(base, PER_WORKER)], i2_v)

    def build_ids(j, carry):
        sl = pl.ds(j * LANES, LANES)
        lane = lax.iota(jnp.int32, LANES) + j * LANES
        ids0_v[sl] = lane + (2 * sid) * CHUNK
        ids1_v[sl] = lane + (2 * sid + 1) * CHUNK
        return carry

    lax.fori_loop(0, CHUNK // LANES, build_ids, 0)

    plsc.subcore_barrier()

    def gather_descr(c, p, t):
        sl = pl.ds(c * CHUNK, CHUNK)
        return pltpu.make_async_copy(
            tabs[t].at[idx_v[t].at[sl]], bufs[p][t], gsems[p][t])

    def writeout_descr(c, p):
        srow = (2 * sid + p) * CHUNK
        return pltpu.make_async_copy(
            acc_sh.at[pl.ds(srow, CHUNK)],
            out_hbm.at[pl.ds(base + c * CHUNK, CHUNK)],
            wsems[p])

    def process(c, p):
        b = bufs[p]
        srow = (2 * sid + p) * CHUNK
        reg = acc_sh.at[pl.ds(srow, CHUNK)]

        @pl.when(c >= 2)
        def _():
            writeout_descr(c - 2, p).wait()
        for t in range(3):
            gather_descr(c, p, t).start()

        gather_descr(c, p, 0).wait()
        pltpu.sync_copy(b[0], reg)

        gather_descr(c, p, 1).wait()
        pltpu.sync_copy(b[1], acc_sh.at[ids_v[p]], add=True)

        gather_descr(c, p, 2).wait()
        pltpu.sync_copy(b[2], acc_sh.at[ids_v[p]], add=True)

        writeout_descr(c, p).start()

    def pair_body(i, carry):
        process(2 * i, 0)
        process(2 * i + 1, 1)
        return carry

    lax.fori_loop(0, NUM_CHUNKS // 2, pair_body, 0)
    process(NUM_CHUNKS - 1, 0)

    writeout_descr(NUM_CHUNKS - 1, 0).wait()
    writeout_descr(NUM_CHUNKS - 2, 1).wait()


def kernel(edge_attr, emb0, emb1, emb2):
    a = edge_attr.astype(jnp.int32)
    i0, i1, i2 = a[:, 0], a[:, 1], a[:, 2]
    return _bond_encoder_sc(i0, i1, i2, emb0, emb1, emb2)

# --- scband reference (transcript-rebuilt; emitter-appended) ---
"""Pipeline reference for scband-bond-encoder-5557687681835 (READ-ONLY COPY).

The authoritative reference and input builder live on the scoring server;
editing this copy changes nothing except your own understanding.
"""

import jax, jax.numpy as jnp
import numpy as np

HIDDEN = 128
E = 320000

def setup_inputs(seed: int = 0) -> dict:
    key = jax.random.key(seed)
    k0, k1, k2, k3 = jax.random.split(key, 4)
    edge_attr = jax.random.randint(k0, (E, 3), 0, 100, dtype=jnp.int64) if jax.config.jax_enable_x64 else jax.random.randint(k0, (E, 3), 0, 100, dtype=jnp.int32)
    # Xavier uniform init for each embedding table (fan_in=100, fan_out=HIDDEN)
    limit = float(np.sqrt(6.0 / (100 + HIDDEN)))
    emb0 = jax.random.uniform(k1, (100, HIDDEN), dtype=jnp.float32, minval=-limit, maxval=limit)
    emb1 = jax.random.uniform(k2, (100, HIDDEN), dtype=jnp.float32, minval=-limit, maxval=limit)
    emb2 = jax.random.uniform(k3, (100, HIDDEN), dtype=jnp.float32, minval=-limit, maxval=limit)
    return {"edge_attr": edge_attr, "emb0": emb0, "emb1": emb1, "emb2": emb2}

def reference(edge_attr, emb0, emb1, emb2):
    if edge_attr.ndim == 1:
        edge_attr = edge_attr[:, None]
    tables = [emb0, emb1, emb2]
    out = 0
    for i in range(edge_attr.shape[1]):
        out = out + jnp.take(tables[i], edge_attr[:, i], axis=0)
    return out

if __name__ == "__main__":
    import jax
    _d = setup_inputs()
    print(jax.jit(kernel)(*tuple(_d.values())))

</pallas_src>

<mosaic_0001>
#map = affine_map<(d0, d1) -> (0)>
#map1 = affine_map<(d0, d1) -> (0, 0)>
module attributes {stable_mosaic.version = 14 : i64} {
  func.func @_bond_encoder_sc(%arg0: i32, %arg1: i32, %arg2: memref<320000xi32, #tpu.memory_space<hbm>>, %arg3: memref<320000xi32, #tpu.memory_space<hbm>>, %arg4: memref<320000xi32, #tpu.memory_space<hbm>>, %arg5: memref<100x128xf32, #tpu.memory_space<hbm>>, %arg6: memref<100x128xf32, #tpu.memory_space<hbm>>, %arg7: memref<100x128xf32, #tpu.memory_space<hbm>>, %arg8: memref<320000x128xf32, #tpu.memory_space<hbm>>, %arg9: memref<10000xi32, #tpu.memory_space<vmem>>, %arg10: memref<10000xi32, #tpu.memory_space<vmem>>, %arg11: memref<10000xi32, #tpu.memory_space<vmem>>, %arg12: memref<80xi32, #tpu.memory_space<vmem>>, %arg13: memref<80xi32, #tpu.memory_space<vmem>>, %arg14: memref<80x128xf32, #tpu.memory_space<vmem>>, %arg15: memref<80x128xf32, #tpu.memory_space<vmem>>, %arg16: memref<80x128xf32, #tpu.memory_space<vmem>>, %arg17: memref<80x128xf32, #tpu.memory_space<vmem>>, %arg18: memref<80x128xf32, #tpu.memory_space<vmem>>, %arg19: memref<80x128xf32, #tpu.memory_space<vmem>>, %arg20: memref<100x128xf32, #tpu.memory_space<vmem_shared>>, %arg21: memref<100x128xf32, #tpu.memory_space<vmem_shared>>, %arg22: memref<100x128xf32, #tpu.memory_space<vmem_shared>>, %arg23: memref<2560x128xf32, #tpu.memory_space<vmem_shared>>, %arg24: memref<!tpu.dma_semaphore, #tpu.memory_space<semaphore_mem>>, %arg25: memref<!tpu.dma_semaphore, #tpu.memory_space<semaphore_mem>>, %arg26: memref<!tpu.dma_semaphore, #tpu.memory_space<semaphore_mem>>, %arg27: memref<!tpu.dma_semaphore, #tpu.memory_space<semaphore_mem>>, %arg28: memref<!tpu.dma_semaphore, #tpu.memory_space<semaphore_mem>>, %arg29: memref<!tpu.dma_semaphore, #tpu.memory_space<semaphore_mem>>, %arg30: memref<!tpu.dma_semaphore, #tpu.memory_space<semaphore_mem>>, %arg31: memref<!tpu.dma_semaphore, #tpu.memory_space<semaphore_mem>>) attributes {dimension_semantics = [#tpu.dimension_semantics<core_parallel>, #tpu.dimension_semantics<subcore_parallel>], iteration_bounds = array<i64: 2, 16>, scalar_prefetch = 0 : i64, scratch_operands = 23 : i64, tpu.core_type = #tpu.core_type<sc_vector_subcore>, window_params = [{transform_indices = #map}, {transform_indices = #map}, {transform_indices = #map}, {transform_indices = #map1}, {transform_indices = #map1}, {transform_indices = #map1}, {transform_indices = #map1}]} {
    %mul3A = arith.constant 2 : i32
    %mul3A_0 = arith.muli %arg1, %mul3A : i32
    %add3A = arith.addi %mul3A_0, %arg0 : i32
    %mul3A_1 = arith.constant 10000 : i32
    %mul3A_2 = arith.muli %add3A, %mul3A_1 : i32
    %eq3A = arith.constant 0 : i32
    %eq3A_3 = arith.cmpi eq, %arg1, %eq3A : i32
    %convert_element_type3A = arith.extui %eq3A_3 : i1 to i32
    %cond3A = arith.constant 0 : i32
    %cond3A_4 = arith.cmpi ne, %convert_element_type3A, %cond3A : i32
    scf.if %cond3A_4 {
      "tpu.region"() ({
        %run_scoped3A = tpu.sem_alloc : memref<!tpu.dma_semaphore, #tpu.memory_space<semaphore_mem>>
        tpu.enqueue_dma source(%arg5 : memref<100x128xf32, #tpu.memory_space<hbm>>) target(%arg20 : memref<100x128xf32, #tpu.memory_space<vmem_shared>>) target_semaphore(%run_scoped3A : memref<!tpu.dma_semaphore, #tpu.memory_space<semaphore_mem>>)
        tpu.wait_dma2 semaphore(%run_scoped3A : memref<!tpu.dma_semaphore, #tpu.memory_space<semaphore_mem>>) src(%arg5 : memref<100x128xf32, #tpu.memory_space<hbm>>) dst(%arg20 : memref<100x128xf32, #tpu.memory_space<vmem_shared>>)
        tpu.yield
      }) : () -> ()
      "tpu.region"() ({
        %run_scoped3A = tpu.sem_alloc : memref<!tpu.dma_semaphore, #tpu.memory_space<semaphore_mem>>
        tpu.enqueue_dma source(%arg6 : memref<100x128xf32, #tpu.memory_space<hbm>>) target(%arg21 : memref<100x128xf32, #tpu.memory_space<vmem_shared>>) target_semaphore(%run_scoped3A : memref<!tpu.dma_semaphore, #tpu.memory_space<semaphore_mem>>)
        tpu.wait_dma2 semaphore(%run_scoped3A : memref<!tpu.dma_semaphore, #tpu.memory_space<semaphore_mem>>) src(%arg6 : memref<100x128xf32, #tpu.memory_space<hbm>>) dst(%arg21 : memref<100x128xf32, #tpu.memory_space<vmem_shared>>)
        tpu.yield
      }) : () -> ()
      "tpu.region"() ({
        %run_scoped3A = tpu.sem_alloc : memref<!tpu.dma_semaphore, #tpu.memory_space<semaphore_mem>>
        tpu.enqueue_dma source(%arg7 : memref<100x128xf32, #tpu.memory_space<hbm>>) target(%arg22 : memref<100x128xf32, #tpu.memory_space<vmem_shared>>) target_semaphore(%run_scoped3A : memref<!tpu.dma_semaphore, #tpu.memory_space<semaphore_mem>>)
        tpu.wait_dma2 semaphore(%run_scoped3A : memref<!tpu.dma_semaphore, #tpu.memory_space<semaphore_mem>>) src(%arg7 : memref<100x128xf32, #tpu.memory_space<hbm>>) dst(%arg22 : memref<100x128xf32, #tpu.memory_space<vmem_shared>>)
        tpu.yield
      }) : () -> ()
    } else {
    }
    "tpu.region"() ({
      %run_scoped3A = tpu.sem_alloc : memref<!tpu.dma_semaphore, #tpu.memory_space<semaphore_mem>>
      %dma_start3A_98 = tpu.memref_slice %arg2[%mul3A_2] : memref<320000xi32, #tpu.memory_space<hbm>> -> memref<10000xi32, #tpu.memory_space<hbm>>
      %dma_start3A_99 = tpu.memref_slice %arg2[%mul3A_2] : memref<320000xi32, #tpu.memory_space<hbm>> -> memref<10000xi32, #tpu.memory_space<hbm>>
      tpu.enqueue_dma source(%dma_start3A_99 : memref<10000xi32, #tpu.memory_space<hbm>>) target(%arg9 : memref<10000xi32, #tpu.memory_space<vmem>>) target_semaphore(%run_scoped3A : memref<!tpu.dma_semaphore, #tpu.memory_space<semaphore_mem>>)
      %dma_wait3A_100 = tpu.memref_slice %arg2[%mul3A_2] : memref<320000xi32, #tpu.memory_space<hbm>> -> memref<10000xi32, #tpu.memory_space<hbm>>
      %dma_wait3A_101 = tpu.memref_slice %arg2[%mul3A_2] : memref<320000xi32, #tpu.memory_space<hbm>> -> memref<10000xi32, #tpu.memory_space<hbm>>
      tpu.wait_dma2 semaphore(%run_scoped3A : memref<!tpu.dma_semaphore, #tpu.memory_space<semaphore_mem>>) src(%dma_wait3A_101 : memref<10000xi32, #tpu.memory_space<hbm>>) dst(%arg9 : memref<10000xi32, #tpu.memory_space<vmem>>)
      tpu.yield
    }) : () -> ()
    "tpu.region"() ({
      %run_scoped3A = tpu.sem_alloc : memref<!tpu.dma_semaphore, #tpu.memory_space<semaphore_mem>>
      %dma_start3A_98 = tpu.memref_slice %arg3[%mul3A_2] : memref<320000xi32, #tpu.memory_space<hbm>> -> memref<10000xi32, #tpu.memory_space<hbm>>
      %dma_start3A_99 = tpu.memref_slice %arg3[%mul3A_2] : memref<320000xi32, #tpu.memory_space<hbm>> -> memref<10000xi32, #tpu.memory_space<hbm>>
      tpu.enqueue_dma source(%dma_start3A_99 : memref<10000xi32, #tpu.memory_space<hbm>>) target(%arg10 : memref<10000xi32, #tpu.memory_space<vmem>>) target_semaphore(%run_scoped3A : memref<!tpu.dma_semaphore, #tpu.memory_space<semaphore_mem>>)
      %dma_wait3A_100 = tpu.memref_slice %arg3[%mul3A_2] : memref<320000xi32, #tpu.memory_space<hbm>> -> memref<10000xi32, #tpu.memory_space<hbm>>
      %dma_wait3A_101 = tpu.memref_slice %arg3[%mul3A_2] : memref<320000xi32, #tpu.memory_space<hbm>> -> memref<10000xi32, #tpu.memory_space<hbm>>
      tpu.wait_dma2 semaphore(%run_scoped3A : memref<!tpu.dma_semaphore, #tpu.memory_space<semaphore_mem>>) src(%dma_wait3A_101 : memref<10000xi32, #tpu.memory_space<hbm>>) dst(%arg10 : memref<10000xi32, #tpu.memory_space<vmem>>)
      tpu.yield
    }) : () -> ()
    "tpu.region"() ({
      %run_scoped3A = tpu.sem_alloc : memref<!tpu.dma_semaphore, #tpu.memory_space<semaphore_mem>>
      %dma_start3A_98 = tpu.memref_slice %arg4[%mul3A_2] : memref<320000xi32, #tpu.memory_space<hbm>> -> memref<10000xi32, #tpu.memory_space<hbm>>
      %dma_start3A_99 = tpu.memref_slice %arg4[%mul3A_2] : memref<320000xi32, #tpu.memory_space<hbm>> -> memref<10000xi32, #tpu.memory_space<hbm>>
      tpu.enqueue_dma source(%dma_start3A_99 : memref<10000xi32, #tpu.memory_space<hbm>>) target(%arg11 : memref<10000xi32, #tpu.memory_space<vmem>>) target_semaphore(%run_scoped3A : memref<!tpu.dma_semaphore, #tpu.memory_space<semaphore_mem>>)
      %dma_wait3A_100 = tpu.memref_slice %arg4[%mul3A_2] : memref<320000xi32, #tpu.memory_space<hbm>> -> memref<10000xi32, #tpu.memory_space<hbm>>
      %dma_wait3A_101 = tpu.memref_slice %arg4[%mul3A_2] : memref<320000xi32, #tpu.memory_space<hbm>> -> memref<10000xi32, #tpu.memory_space<hbm>>
      tpu.wait_dma2 semaphore(%run_scoped3A : memref<!tpu.dma_semaphore, #tpu.memory_space<semaphore_mem>>) src(%dma_wait3A_101 : memref<10000xi32, #tpu.memory_space<hbm>>) dst(%arg11 : memref<10000xi32, #tpu.memory_space<vmem>>)
      tpu.yield
    }) : () -> ()
    %scan3A = arith.constant 0 : i32
    %scan3A_5 = arith.constant 0 : i32
    %scan3A_6 = arith.constant 5 : i32
    %scan3A_7 = arith.addi %scan3A_5, %scan3A_6 : i32
    %scan3A_8 = arith.constant 1 : i32
    scf.for %scan3A_98 = %scan3A_5 to %scan3A_7 step %scan3A_8  : i32 {
      %mul3A_99 = arith.constant 16 : i32
      %mul3A_100 = arith.muli %scan3A_98, %mul3A_99 : i32
      %iota3A = tpu.iota {dimensions = array<i32: 0>} : vector<16xi32>
      %mul3A_101 = arith.constant 16 : i32
      %mul3A_102 = arith.muli %scan3A_98, %mul3A_101 : i32
      %add3A_103 = vector.broadcast %mul3A_102 : i32 to vector<16xi32>
      %add3A_104 = arith.addi %iota3A, %add3A_103 : vector<16xi32>
      %mul3A_105 = arith.constant 2 : i32
      %mul3A_106 = arith.muli %mul3A_105, %arg1 : i32
      %mul3A_107 = arith.constant 80 : i32
      %mul3A_108 = arith.muli %mul3A_106, %mul3A_107 : i32
      %add3A_109 = vector.broadcast %mul3A_108 : i32 to vector<16xi32>
      %add3A_110 = arith.addi %add3A_104, %add3A_109 : vector<16xi32>
      %swap3A = arith.index_cast %mul3A_100 : i32 to index
      %swap3A_111 = tpu.vector_load %arg12[%swap3A] {strides = array<i32>} : memref<80xi32, #tpu.memory_space<vmem>>, vector<16xi32>,
      %swap3A_112 = vector.shape_cast %swap3A_111 : vector<16xi32> to vector<16xi32>
      %swap3A_113 = vector.shape_cast %add3A_110 : vector<16xi32> to vector<16xi32>
      tpu.vector_store %arg12[%swap3A], %swap3A_113 {strides = array<i32>} : memref<80xi32, #tpu.memory_space<vmem>>, vector<16xi32>,
      %mul3A_114 = arith.constant 2 : i32
      %mul3A_115 = arith.muli %mul3A_114, %arg1 : i32
      %add3A_116 = arith.constant 1 : i32
      %add3A_117 = arith.addi %mul3A_115, %add3A_116 : i32
      %mul3A_118 = arith.constant 80 : i32
      %mul3A_119 = arith.muli %add3A_117, %mul3A_118 : i32
      %add3A_120 = vector.broadcast %mul3A_119 : i32 to vector<16xi32>
      %add3A_121 = arith.addi %add3A_104, %add3A_120 : vector<16xi32>
      %swap3A_122 = arith.index_cast %mul3A_100 : i32 to index
      %swap3A_123 = tpu.vector_load %arg13[%swap3A_122] {strides = array<i32>} : memref<80xi32, #tpu.memory_space<vmem>>, vector<16xi32>,
      %swap3A_124 = vector.shape_cast %swap3A_123 : vector<16xi32> to vector<16xi32>
      %swap3A_125 = vector.shape_cast %add3A_121 : vector<16xi32> to vector<16xi32>
      tpu.vector_store %arg13[%swap3A_122], %swap3A_125 {strides = array<i32>} : memref<80xi32, #tpu.memory_space<vmem>>, vector<16xi32>,
    }
    %scan3A_9 = arith.constant 5 : i32
    %barrier3A = arith.constant 0 : index
    tpu.barrier barrier_id(%barrier3A)
    %scan3A_10 = arith.constant 0 : i32
    %scan3A_11 = arith.constant 0 : i32
    %scan3A_12 = arith.constant 62 : i32
    %scan3A_13 = arith.addi %scan3A_11, %scan3A_12 : i32
    %scan3A_14 = arith.constant 1 : i32
    scf.for %scan3A_98 = %scan3A_11 to %scan3A_13 step %scan3A_14  : i32 {
      %mul3A_99 = arith.constant 2 : i32
      %mul3A_100 = arith.muli %mul3A_99, %scan3A_98 : i32
      %mul3A_101 = arith.constant 2 : i32
      %mul3A_102 = arith.muli %mul3A_101, %arg1 : i32
      %add3A_103 = arith.constant 0 : i32
      %add3A_104 = arith.addi %mul3A_102, %add3A_103 : i32
      %mul3A_105 = arith.constant 80 : i32
      %mul3A_106 = arith.muli %add3A_104, %mul3A_105 : i32
      %ge3A = arith.constant 2 : i32
      %ge3A_107 = arith.cmpi sge, %mul3A_100, %ge3A : i32
      %convert_element_type3A_108 = arith.extui %ge3A_107 : i1 to i32
      %cond3A_109 = arith.constant 0 : i32
      %cond3A_110 = arith.cmpi ne, %convert_element_type3A_108, %cond3A_109 : i32
      scf.if %cond3A_110 {
        %sub3A = arith.constant 2 : i32
        %sub3A_224 = arith.subi %mul3A_100, %sub3A : i32
        %mul3A_225 = arith.constant 2 : i32
        %mul3A_226 = arith.muli %mul3A_225, %arg1 : i32
        %add3A_227 = arith.constant 0 : i32
        %add3A_228 = arith.addi %mul3A_226, %add3A_227 : i32
        %mul3A_229 = arith.constant 80 : i32
        %mul3A_230 = arith.muli %add3A_228, %mul3A_229 : i32
        %mul3A_231 = arith.constant 80 : i32
        %mul3A_232 = arith.muli %sub3A_224, %mul3A_231 : i32
        %add3A_233 = arith.addi %mul3A_2, %mul3A_232 : i32
        %dma_wait3A_234 = arith.constant 0 : i32
        %dma_wait3A_235 = tpu.memref_slice %arg8[%add3A_233, %dma_wait3A_234] : memref<320000x128xf32, #tpu.memory_space<hbm>> -> memref<80x128xf32, #tpu.memory_space<hbm>>
        %dma_wait3A_236 = arith.constant 0 : i32
        %dma_wait3A_237 = tpu.memref_slice %arg23[%mul3A_230, %dma_wait3A_236] : memref<2560x128xf32, #tpu.memory_space<vmem_shared>> -> memref<80x128xf32, #tpu.memory_space<vmem_shared>>
        tpu.wait_dma2 semaphore(%arg30 : memref<!tpu.dma_semaphore, #tpu.memory_space<semaphore_mem>>) src(%dma_wait3A_237 : memref<80x128xf32, #tpu.memory_space<vmem_shared>>) dst(%dma_wait3A_235 : memref<80x128xf32, #tpu.memory_space<hbm>>)
      } else {
      }
      %mul3A_111 = arith.constant 80 : i32
      %mul3A_112 = arith.muli %mul3A_100, %mul3A_111 : i32
      %dma_start3A_113 = tpu.memref_slice %arg9[%mul3A_112] : memref<10000xi32, #tpu.memory_space<vmem>> -> memref<80xi32, #tpu.memory_space<vmem>>
      %dma_start3A_114 = arith.constant 0 : i32
      %dma_start3A_115 = arith.constant 0 : i32
      %dma_start3A_116 = tpu.memref_slice %arg20[%dma_start3A_114, %dma_start3A_115] : memref<100x128xf32, #tpu.memory_space<vmem_shared>> -> memref<100x128xf32, #tpu.memory_space<vmem_shared>>
      tpu.enqueue_indirect_dma source(%dma_start3A_116 : memref<100x128xf32, #tpu.memory_space<vmem_shared>>) target(%arg14 : memref<80x128xf32, #tpu.memory_space<vmem>>) offsets(%dma_start3A_113 : memref<80xi32, #tpu.memory_space<vmem>>) semaphore(%arg24 : memref<!tpu.dma_semaphore, #tpu.memory_space<semaphore_mem>>)
      %mul3A_117 = arith.constant 80 : i32
      %mul3A_118 = arith.muli %mul3A_100, %mul3A_117 : i32
      %dma_start3A_119 = tpu.memref_slice %arg10[%mul3A_118] : memref<10000xi32, #tpu.memory_space<vmem>> -> memref<80xi32, #tpu.memory_space<vmem>>
      %dma_start3A_120 = arith.constant 0 : i32
      %dma_start3A_121 = arith.constant 0 : i32
      %dma_start3A_122 = tpu.memref_slice %arg21[%dma_start3A_120, %dma_start3A_121] : memref<100x128xf32, #tpu.memory_space<vmem_shared>> -> memref<100x128xf32, #tpu.memory_space<vmem_shared>>
      tpu.enqueue_indirect_dma source(%dma_start3A_122 : memref<100x128xf32, #tpu.memory_space<vmem_shared>>) target(%arg15 : memref<80x128xf32, #tpu.memory_space<vmem>>) offsets(%dma_start3A_119 : memref<80xi32, #tpu.memory_space<vmem>>) semaphore(%arg25 : memref<!tpu.dma_semaphore, #tpu.memory_space<semaphore_mem>>)
      %mul3A_123 = arith.constant 80 : i32
      %mul3A_124 = arith.muli %mul3A_100, %mul3A_123 : i32
      %dma_start3A_125 = tpu.memref_slice %arg11[%mul3A_124] : memref<10000xi32, #tpu.memory_space<vmem>> -> memref<80xi32, #tpu.memory_space<vmem>>
      %dma_start3A_126 = arith.constant 0 : i32
      %dma_start3A_127 = arith.constant 0 : i32
      %dma_start3A_128 = tpu.memref_slice %arg22[%dma_start3A_126, %dma_start3A_127] : memref<100x128xf32, #tpu.memory_space<vmem_shared>> -> memref<100x128xf32, #tpu.memory_space<vmem_shared>>
      tpu.enqueue_indirect_dma source(%dma_start3A_128 : memref<100x128xf32, #tpu.memory_space<vmem_shared>>) target(%arg16 : memref<80x128xf32, #tpu.memory_space<vmem>>) offsets(%dma_start3A_125 : memref<80xi32, #tpu.memory_space<vmem>>) semaphore(%arg26 : memref<!tpu.dma_semaphore, #tpu.memory_space<semaphore_mem>>)
      %mul3A_129 = arith.constant 80 : i32
      %mul3A_130 = arith.muli %mul3A_100, %mul3A_129 : i32
      %dma_wait3A_131 = tpu.memref_slice %arg9[%mul3A_130] : memref<10000xi32, #tpu.memory_space<vmem>> -> memref<80xi32, #tpu.memory_space<vmem>>
      %dma_wait3A_132 = arith.constant 0 : i32
      %dma_wait3A_133 = arith.constant 0 : i32
      %dma_wait3A_134 = tpu.memref_slice %arg20[%dma_wait3A_132, %dma_wait3A_133] : memref<100x128xf32, #tpu.memory_space<vmem_shared>> -> memref<100x128xf32, #tpu.memory_space<vmem_shared>>
      tpu.wait_indirect_dma semaphore(%arg24 : memref<!tpu.dma_semaphore, #tpu.memory_space<semaphore_mem>>) src(%dma_wait3A_134 : memref<100x128xf32, #tpu.memory_space<vmem_shared>>) dst(%arg14 : memref<80x128xf32, #tpu.memory_space<vmem>>)
      "tpu.region"() ({
        %run_scoped3A = tpu.sem_alloc : memref<!tpu.dma_semaphore, #tpu.memory_space<semaphore_mem>>
        %dma_start3A_224 = arith.constant 0 : i32
        %dma_start3A_225 = tpu.memref_slice %arg23[%mul3A_106, %dma_start3A_224] : memref<2560x128xf32, #tpu.memory_space<vmem_shared>> -> memref<80x128xf32, #tpu.memory_space<vmem_shared>>
        %dma_start3A_226 = arith.constant 0 : i32
        %dma_start3A_227 = tpu.memref_slice %arg23[%mul3A_106, %dma_start3A_226] : memref<2560x128xf32, #tpu.memory_space<vmem_shared>> -> memref<80x128xf32, #tpu.memory_space<vmem_shared>>
        tpu.enqueue_dma source(%arg14 : memref<80x128xf32, #tpu.memory_space<vmem>>) target(%dma_start3A_227 : memref<80x128xf32, #tpu.memory_space<vmem_shared>>) target_semaphore(%run_scoped3A : memref<!tpu.dma_semaphore, #tpu.memory_space<semaphore_mem>>)
        %dma_wait3A_228 = arith.constant 0 : i32
        %dma_wait3A_229 = tpu.memref_slice %arg23[%mul3A_106, %dma_wait3A_228] : memref<2560x128xf32, #tpu.memory_space<vmem_shared>> -> memref<80x128xf32, #tpu.memory_space<vmem_shared>>
        %dma_wait3A_230 = arith.constant 0 : i32
        %dma_wait3A_231 = tpu.memref_slice %arg23[%mul3A_106, %dma_wait3A_230] : memref<2560x128xf32, #tpu.memory_space<vmem_shared>> -> memref<80x128xf32, #tpu.memory_space<vmem_shared>>
        tpu.wait_dma2 semaphore(%run_scoped3A : memref<!tpu.dma_semaphore, #tpu.memory_space<semaphore_mem>>) src(%arg14 : memref<80x128xf32, #tpu.memory_space<vmem>>) dst(%dma_wait3A_231 : memref<80x128xf32, #tpu.memory_space<vmem_shared>>)
        tpu.yield
      }) : () -> ()
      %mul3A_135 = arith.constant 80 : i32
      %mul3A_136 = arith.muli %mul3A_100, %mul3A_135 : i32
      %dma_wait3A_137 = tpu.memref_slice %arg10[%mul3A_136] : memref<10000xi32, #tpu.memory_space<vmem>> -> memref<80xi32, #tpu.memory_space<vmem>>
      %dma_wait3A_138 = arith.constant 0 : i32
      %dma_wait3A_139 = arith.constant 0 : i32
      %dma_wait3A_140 = tpu.memref_slice %arg21[%dma_wait3A_138, %dma_wait3A_139] : memref<100x128xf32, #tpu.memory_space<vmem_shared>> -> memref<100x128xf32, #tpu.memory_space<vmem_shared>>
      tpu.wait_indirect_dma semaphore(%arg25 : memref<!tpu.dma_semaphore, #tpu.memory_space<semaphore_mem>>) src(%dma_wait3A_140 : memref<100x128xf32, #tpu.memory_space<vmem_shared>>) dst(%arg15 : memref<80x128xf32, #tpu.memory_space<vmem>>)
      "tpu.region"() ({
        %run_scoped3A = tpu.sem_alloc : memref<!tpu.dma_semaphore, #tpu.memory_space<semaphore_mem>>
        %dma_start3A_224 = arith.constant 0 : i32
        %dma_start3A_225 = arith.constant 0 : i32
        %dma_start3A_226 = tpu.memref_slice %arg23[%dma_start3A_224, %dma_start3A_225] : memref<2560x128xf32, #tpu.memory_space<vmem_shared>> -> memref<2560x128xf32, #tpu.memory_space<vmem_shared>>
        tpu.enqueue_indirect_dma source(%arg15 : memref<80x128xf32, #tpu.memory_space<vmem>>) target(%dma_start3A_226 : memref<2560x128xf32, #tpu.memory_space<vmem_shared>>) offsets(%arg12 : memref<80xi32, #tpu.memory_space<vmem>>) semaphore(%run_scoped3A : memref<!tpu.dma_semaphore, #tpu.memory_space<semaphore_mem>>) {add = true}
        %dma_wait3A_227 = arith.constant 0 : i32
        %dma_wait3A_228 = arith.constant 0 : i32
        %dma_wait3A_229 = tpu.memref_slice %arg23[%dma_wait3A_227, %dma_wait3A_228] : memref<2560x128xf32, #tpu.memory_space<vmem_shared>> -> memref<2560x128xf32, #tpu.memory_space<vmem_shared>>
        tpu.wait_indirect_dma semaphore(%run_scoped3A : memref<!tpu.dma_semaphore, #tpu.memory_space<semaphore_mem>>) src(%arg15 : memref<80x128xf32, #tpu.memory_space<vmem>>) dst(%dma_wait3A_229 : memref<2560x128xf32, #tpu.memory_space<vmem_shared>>)
        tpu.yield
      }) : () -> ()
      %mul3A_141 = arith.constant 80 : i32
      %mul3A_142 = arith.muli %mul3A_100, %mul3A_141 : i32
      %dma_wait3A_143 = tpu.memref_slice %arg11[%mul3A_142] : memref<10000xi32, #tpu.memory_space<vmem>> -> memref<80xi32, #tpu.memory_space<vmem>>
      %dma_wait3A_144 = arith.constant 0 : i32
      %dma_wait3A_145 = arith.constant 0 : i32
      %dma_wait3A_146 = tpu.memref_slice %arg22[%dma_wait3A_144, %dma_wait3A_145] : memref<100x128xf32, #tpu.memory_space<vmem_shared>> -> memref<100x128xf32, #tpu.memory_space<vmem_shared>>
      tpu.wait_indirect_dma semaphore(%arg26 : memref<!tpu.dma_semaphore, #tpu.memory_space<semaphore_mem>>) src(%dma_wait3A_146 : memref<100x128xf32, #tpu.memory_space<vmem_shared>>) dst(%arg16 : memref<80x128xf32, #tpu.memory_space<vmem>>)
      "tpu.region"() ({
        %run_scoped3A = tpu.sem_alloc : memref<!tpu.dma_semaphore, #tpu.memory_space<semaphore_mem>>
        %dma_start3A_224 = arith.constant 0 : i32
        %dma_start3A_225 = arith.constant 0 : i32
        %dma_start3A_226 = tpu.memref_slice %arg23[%dma_start3A_224, %dma_start3A_225] : memref<2560x128xf32, #tpu.memory_space<vmem_shared>> -> memref<2560x128xf32, #tpu.memory_space<vmem_shared>>
        tpu.enqueue_indirect_dma source(%arg16 : memref<80x128xf32, #tpu.memory_space<vmem>>) target(%dma_start3A_226 : memref<2560x128xf32, #tpu.memory_space<vmem_shared>>) offsets(%arg12 : memref<80xi32, #tpu.memory_space<vmem>>) semaphore(%run_scoped3A : memref<!tpu.dma_semaphore, #tpu.memory_space<semaphore_mem>>) {add = true}
        %dma_wait3A_227 = arith.constant 0 : i32
        %dma_wait3A_228 = arith.constant 0 : i32
        %dma_wait3A_229 = tpu.memref_slice %arg23[%dma_wait3A_227, %dma_wait3A_228] : memref<2560x128xf32, #tpu.memory_space<vmem_shared>> -> memref<2560x128xf32, #tpu.memory_space<vmem_shared>>
        tpu.wait_indirect_dma semaphore(%run_scoped3A : memref<!tpu.dma_semaphore, #tpu.memory_space<semaphore_mem>>) src(%arg16 : memref<80x128xf32, #tpu.memory_space<vmem>>) dst(%dma_wait3A_229 : memref<2560x128xf32, #tpu.memory_space<vmem_shared>>)
        tpu.yield
      }) : () -> ()
      %mul3A_147 = arith.constant 2 : i32
      %mul3A_148 = arith.muli %mul3A_147, %arg1 : i32
      %add3A_149 = arith.constant 0 : i32
      %add3A_150 = arith.addi %mul3A_148, %add3A_149 : i32
      %mul3A_151 = arith.constant 80 : i32
      %mul3A_152 = arith.muli %add3A_150, %mul3A_151 : i32
      %mul3A_153 = arith.constant 80 : i32
      %mul3A_154 = arith.muli %mul3A_100, %mul3A_153 : i32
      %add3A_155 = arith.addi %mul3A_2, %mul3A_154 : i32
      %dma_start3A_156 = arith.constant 0 : i32
      %dma_start3A_157 = tpu.memref_slice %arg8[%add3A_155, %dma_start3A_156] : memref<320000x128xf32, #tpu.memory_space<hbm>> -> memref<80x128xf32, #tpu.memory_space<hbm>>
      %dma_start3A_158 = arith.constant 0 : i32
      %dma_start3A_159 = tpu.memref_slice %arg23[%mul3A_152, %dma_start3A_158] : memref<2560x128xf32, #tpu.memory_space<vmem_shared>> -> memref<80x128xf32, #tpu.memory_space<vmem_shared>>
      tpu.enqueue_dma source(%dma_start3A_159 : memref<80x128xf32, #tpu.memory_space<vmem_shared>>) target(%dma_start3A_157 : memref<80x128xf32, #tpu.memory_space<hbm>>) target_semaphore(%arg30 : memref<!tpu.dma_semaphore, #tpu.memory_space<semaphore_mem>>)
      %mul3A_160 = arith.constant 2 : i32
      %mul3A_161 = arith.muli %mul3A_160, %scan3A_98 : i32
      %add3A_162 = arith.constant 1 : i32
      %add3A_163 = arith.addi %mul3A_161, %add3A_162 : i32
      %mul3A_164 = arith.constant 2 : i32
      %mul3A_165 = arith.muli %mul3A_164, %arg1 : i32
      %add3A_166 = arith.constant 1 : i32
      %add3A_167 = arith.addi %mul3A_165, %add3A_166 : i32
      %mul3A_168 = arith.constant 80 : i32
      %mul3A_169 = arith.muli %add3A_167, %mul3A_168 : i32
      %ge3A_170 = arith.constant 2 : i32
      %ge3A_171 = arith.cmpi sge, %add3A_163, %ge3A_170 : i32
      %convert_element_type3A_172 = arith.extui %ge3A_171 : i1 to i32
      %cond3A_173 = arith.constant 0 : i32
      %cond3A_174 = arith.cmpi ne, %convert_element_type3A_172, %cond3A_173 : i32
      scf.if %cond3A_174 {
        %sub3A = arith.constant 2 : i32
        %sub3A_224 = arith.subi %add3A_163, %sub3A : i32
        %mul3A_225 = arith.constant 2 : i32
        %mul3A_226 = arith.muli %mul3A_225, %arg1 : i32
        %add3A_227 = arith.constant 1 : i32
        %add3A_228 = arith.addi %mul3A_226, %add3A_227 : i32
        %mul3A_229 = arith.constant 80 : i32
        %mul3A_230 = arith.muli %add3A_228, %mul3A_229 : i32
        %mul3A_231 = arith.constant 80 : i32
        %mul3A_232 = arith.muli %sub3A_224, %mul3A_231 : i32
        %add3A_233 = arith.addi %mul3A_2, %mul3A_232 : i32
        %dma_wait3A_234 = arith.constant 0 : i32
        %dma_wait3A_235 = tpu.memref_slice %arg8[%add3A_233, %dma_wait3A_234] : memref<320000x128xf32, #tpu.memory_space<hbm>> -> memref<80x128xf32, #tpu.memory_space<hbm>>
        %dma_wait3A_236 = arith.constant 0 : i32
        %dma_wait3A_237 = tpu.memref_slice %arg23[%mul3A_230, %dma_wait3A_236] : memref<2560x128xf32, #tpu.memory_space<vmem_shared>> -> memref<80x128xf32, #tpu.memory_space<vmem_shared>>
        tpu.wait_dma2 semaphore(%arg31 : memref<!tpu.dma_semaphore, #tpu.memory_space<semaphore_mem>>) src(%dma_wait3A_237 : memref<80x128xf32, #tpu.memory_space<vmem_shared>>) dst(%dma_wait3A_235 : memref<80x128xf32, #tpu.memory_space<hbm>>)
      } else {
      }
      %mul3A_175 = arith.constant 80 : i32
      %mul3A_176 = arith.muli %add3A_163, %mul3A_175 : i32
      %dma_start3A_177 = tpu.memref_slice %arg9[%mul3A_176] : memref<10000xi32, #tpu.memory_space<vmem>> -> memref<80xi32, #tpu.memory_space<vmem>>
      %dma_start3A_178 = arith.constant 0 : i32
      %dma_start3A_179 = arith.constant 0 : i32
      %dma_start3A_180 = tpu.memref_slice %arg20[%dma_start3A_178, %dma_start3A_179] : memref<100x128xf32, #tpu.memory_space<vmem_shared>> -> memref<100x128xf32, #tpu.memory_space<vmem_shared>>
      tpu.enqueue_indirect_dma source(%dma_start3A_180 : memref<100x128xf32, #tpu.memory_space<vmem_shared>>) target(%arg17 : memref<80x128xf32, #tpu.memory_space<vmem>>) offsets(%dma_start3A_177 : memref<80xi32, #tpu.memory_space<vmem>>) semaphore(%arg27 : memref<!tpu.dma_semaphore, #tpu.memory_space<semaphore_mem>>)
      %mul3A_181 = arith.constant 80 : i32
      %mul3A_182 = arith.muli %add3A_163, %mul3A_181 : i32
      %dma_start3A_183 = tpu.memref_slice %arg10[%mul3A_182] : memref<10000xi32, #tpu.memory_space<vmem>> -> memref<80xi32, #tpu.memory_space<vmem>>
      %dma_start3A_184 = arith.constant 0 : i32
      %dma_start3A_185 = arith.constant 0 : i32
      %dma_start3A_186 = tpu.memref_slice %arg21[%dma_start3A_184, %dma_start3A_185] : memref<100x128xf32, #tpu.memory_space<vmem_shared>> -> memref<100x128xf32, #tpu.memory_space<vmem_shared>>
      tpu.enqueue_indirect_dma source(%dma_start3A_186 : memref<100x128xf32, #tpu.memory_space<vmem_shared>>) target(%arg18 : memref<80x128xf32, #tpu.memory_space<vmem>>) offsets(%dma_start3A_183 : memref<80xi32, #tpu.memory_space<vmem>>) semaphore(%arg28 : memref<!tpu.dma_semaphore, #tpu.memory_space<semaphore_mem>>)
      %mul3A_187 = arith.constant 80 : i32
      %mul3A_188 = arith.muli %add3A_163, %mul3A_187 : i32
      %dma_start3A_189 = tpu.memref_slice %arg11[%mul3A_188] : memref<10000xi32, #tpu.memory_space<vmem>> -> memref<80xi32, #tpu.memory_space<vmem>>
      %dma_start3A_190 = arith.constant 0 : i32
      %dma_start3A_191 = arith.constant 0 : i32
      %dma_start3A_192 = tpu.memref_slice %arg22[%dma_start3A_190, %dma_start3A_191] : memref<100x128xf32, #tpu.memory_space<vmem_shared>> -> memref<100x128xf32, #tpu.memory_space<vmem_shared>>
      tpu.enqueue_indirect_dma source(%dma_start3A_192 : memref<100x128xf32, #tpu.memory_space<vmem_shared>>) target(%arg19 : memref<80x128xf32, #tpu.memory_space<vmem>>) offsets(%dma_start3A_189 : memref<80xi32, #tpu.memory_space<vmem>>) semaphore(%arg29 : memref<!tpu.dma_semaphore, #tpu.memory_space<semaphore_mem>>)
      %mul3A_193 = arith.constant 80 : i32
      %mul3A_194 = arith.muli %add3A_163, %mul3A_193 : i32
      %dma_wait3A_195 = tpu.memref_slice %arg9[%mul3A_194] : memref<10000xi32, #tpu.memory_space<vmem>> -> memref<80xi32, #tpu.memory_space<vmem>>
      %dma_wait3A_196 = arith.constant 0 : i32
      %dma_wait3A_197 = arith.constant 0 : i32
      %dma_wait3A_198 = tpu.memref_slice %arg20[%dma_wait3A_196, %dma_wait3A_197] : memref<100x128xf32, #tpu.memory_space<vmem_shared>> -> memref<100x128xf32, #tpu.memory_space<vmem_shared>>
      tpu.wait_indirect_dma semaphore(%arg27 : memref<!tpu.dma_semaphore, #tpu.memory_space<semaphore_mem>>) src(%dma_wait3A_198 : memref<100x128xf32, #tpu.memory_space<vmem_shared>>) dst(%arg17 : memref<80x128xf32, #tpu.memory_space<vmem>>)
      "tpu.region"() ({
        %run_scoped3A = tpu.sem_alloc : memref<!tpu.dma_semaphore, #tpu.memory_space<semaphore_mem>>
        %dma_start3A_224 = arith.constant 0 : i32
        %dma_start3A_225 = tpu.memref_slice %arg23[%mul3A_169, %dma_start3A_224] : memref<2560x128xf32, #tpu.memory_space<vmem_shared>> -> memref<80x128xf32, #tpu.memory_space<vmem_shared>>
        %dma_start3A_226 = arith.constant 0 : i32
        %dma_start3A_227 = tpu.memref_slice %arg23[%mul3A_169, %dma_start3A_226] : memref<2560x128xf32, #tpu.memory_space<vmem_shared>> -> memref<80x128xf32, #tpu.memory_space<vmem_shared>>
        tpu.enqueue_dma source(%arg17 : memref<80x128xf32, #tpu.memory_space<vmem>>) target(%dma_start3A_227 : memref<80x128xf32, #tpu.memory_space<vmem_shared>>) target_semaphore(%run_scoped3A : memref<!tpu.dma_semaphore, #tpu.memory_space<semaphore_mem>>)
        %dma_wait3A_228 = arith.constant 0 : i32
        %dma_wait3A_229 = tpu.memref_slice %arg23[%mul3A_169, %dma_wait3A_228] : memref<2560x128xf32, #tpu.memory_space<vmem_shared>> -> memref<80x128xf32, #tpu.memory_space<vmem_shared>>
        %dma_wait3A_230 = arith.constant 0 : i32
        %dma_wait3A_231 = tpu.memref_slice %arg23[%mul3A_169, %dma_wait3A_230] : memref<2560x128xf32, #tpu.memory_space<vmem_shared>> -> memref<80x128xf32, #tpu.memory_space<vmem_shared>>
        tpu.wait_dma2 semaphore(%run_scoped3A : memref<!tpu.dma_semaphore, #tpu.memory_space<semaphore_mem>>) src(%arg17 : memref<80x128xf32, #tpu.memory_space<vmem>>) dst(%dma_wait3A_231 : memref<80x128xf32, #tpu.memory_space<vmem_shared>>)
        tpu.yield
      }) : () -> ()
      %mul3A_199 = arith.constant 80 : i32
      %mul3A_200 = arith.muli %add3A_163, %mul3A_199 : i32
      %dma_wait3A_201 = tpu.memref_slice %arg10[%mul3A_200] : memref<10000xi32, #tpu.memory_space<vmem>> -> memref<80xi32, #tpu.memory_space<vmem>>
      %dma_wait3A_202 = arith.constant 0 : i32
      %dma_wait3A_203 = arith.constant 0 : i32
      %dma_wait3A_204 = tpu.memref_slice %arg21[%dma_wait3A_202, %dma_wait3A_203] : memref<100x128xf32, #tpu.memory_space<vmem_shared>> -> memref<100x128xf32, #tpu.memory_space<vmem_shared>>
      tpu.wait_indirect_dma semaphore(%arg28 : memref<!tpu.dma_semaphore, #tpu.memory_space<semaphore_mem>>) src(%dma_wait3A_204 : memref<100x128xf32, #tpu.memory_space<vmem_shared>>) dst(%arg18 : memref<80x128xf32, #tpu.memory_space<vmem>>)
      "tpu.region"() ({
        %run_scoped3A = tpu.sem_alloc : memref<!tpu.dma_semaphore, #tpu.memory_space<semaphore_mem>>
        %dma_start3A_224 = arith.constant 0 : i32
        %dma_start3A_225 = arith.constant 0 : i32
        %dma_start3A_226 = tpu.memref_slice %arg23[%dma_start3A_224, %dma_start3A_225] : memref<2560x128xf32, #tpu.memory_space<vmem_shared>> -> memref<2560x128xf32, #tpu.memory_space<vmem_shared>>
        tpu.enqueue_indirect_dma source(%arg18 : memref<80x128xf32, #tpu.memory_space<vmem>>) target(%dma_start3A_226 : memref<2560x128xf32, #tpu.memory_space<vmem_shared>>) offsets(%arg13 : memref<80xi32, #tpu.memory_space<vmem>>) semaphore(%run_scoped3A : memref<!tpu.dma_semaphore, #tpu.memory_space<semaphore_mem>>) {add = true}
        %dma_wait3A_227 = arith.constant 0 : i32
        %dma_wait3A_228 = arith.constant 0 : i32
        %dma_wait3A_229 = tpu.memref_slice %arg23[%dma_wait3A_227, %dma_wait3A_228] : memref<2560x128xf32, #tpu.memory_space<vmem_shared>> -> memref<2560x128xf32, #tpu.memory_space<vmem_shared>>
        tpu.wait_indirect_dma semaphore(%run_scoped3A : memref<!tpu.dma_semaphore, #tpu.memory_space<semaphore_mem>>) src(%arg18 : memref<80x128xf32, #tpu.memory_space<vmem>>) dst(%dma_wait3A_229 : memref<2560x128xf32, #tpu.memory_space<vmem_shared>>)
        tpu.yield
      }) : () -> ()
      %mul3A_205 = arith.constant 80 : i32
      %mul3A_206 = arith.muli %add3A_163, %mul3A_205 : i32
      %dma_wait3A_207 = tpu.memref_slice %arg11[%mul3A_206] : memref<10000xi32, #tpu.memory_space<vmem>> -> memref<80xi32, #tpu.memory_space<vmem>>
      %dma_wait3A_208 = arith.constant 0 : i32
      %dma_wait3A_209 = arith.constant 0 : i32
      %dma_wait3A_210 = tpu.memref_slice %arg22[%dma_wait3A_208, %dma_wait3A_209] : memref<100x128xf32, #tpu.memory_space<vmem_shared>> -> memref<100x128xf32, #tpu.memory_space<vmem_shared>>
      tpu.wait_indirect_dma semaphore(%arg29 : memref<!tpu.dma_semaphore, #tpu.memory_space<semaphore_mem>>) src(%dma_wait3A_210 : memref<100x128xf32, #tpu.memory_space<vmem_shared>>) dst(%arg19 : memref<80x128xf32, #tpu.memory_space<vmem>>)
      "tpu.region"() ({
        %run_scoped3A = tpu.sem_alloc : memref<!tpu.dma_semaphore, #tpu.memory_space<semaphore_mem>>
        %dma_start3A_224 = arith.constant 0 : i32
        %dma_start3A_225 = arith.constant 0 : i32
        %dma_start3A_226 = tpu.memref_slice %arg23[%dma_start3A_224, %dma_start3A_225] : memref<2560x128xf32, #tpu.memory_space<vmem_shared>> -> memref<2560x128xf32, #tpu.memory_space<vmem_shared>>
        tpu.enqueue_indirect_dma source(%arg19 : memref<80x128xf32, #tpu.memory_space<vmem>>) target(%dma_start3A_226 : memref<2560x128xf32, #tpu.memory_space<vmem_shared>>) offsets(%arg13 : memref<80xi32, #tpu.memory_space<vmem>>) semaphore(%run_scoped3A : memref<!tpu.dma_semaphore, #tpu.memory_space<semaphore_mem>>) {add = true}
        %dma_wait3A_227 = arith.constant 0 : i32
        %dma_wait3A_228 = arith.constant 0 : i32
        %dma_wait3A_229 = tpu.memref_slice %arg23[%dma_wait3A_227, %dma_wait3A_228] : memref<2560x128xf32, #tpu.memory_space<vmem_shared>> -> memref<2560x128xf32, #tpu.memory_space<vmem_shared>>
        tpu.wait_indirect_dma semaphore(%run_scoped3A : memref<!tpu.dma_semaphore, #tpu.memory_space<semaphore_mem>>) src(%arg19 : memref<80x128xf32, #tpu.memory_space<vmem>>) dst(%dma_wait3A_229 : memref<2560x128xf32, #tpu.memory_space<vmem_shared>>)
        tpu.yield
      }) : () -> ()
      %mul3A_211 = arith.constant 2 : i32
      %mul3A_212 = arith.muli %mul3A_211, %arg1 : i32
      %add3A_213 = arith.constant 1 : i32
      %add3A_214 = arith.addi %mul3A_212, %add3A_213 : i32
      %mul3A_215 = arith.constant 80 : i32
      %mul3A_216 = arith.muli %add3A_214, %mul3A_215 : i32
      %mul3A_217 = arith.constant 80 : i32
      %mul3A_218 = arith.muli %add3A_163, %mul3A_217 : i32
      %add3A_219 = arith.addi %mul3A_2, %mul3A_218 : i32
      %dma_start3A_220 = arith.constant 0 : i32
      %dma_start3A_221 = tpu.memref_slice %arg8[%add3A_219, %dma_start3A_220] : memref<320000x128xf32, #tpu.memory_space<hbm>> -> memref<80x128xf32, #tpu.memory_space<hbm>>
      %dma_start3A_222 = arith.constant 0 : i32
      %dma_start3A_223 = tpu.memref_slice %arg23[%mul3A_216, %dma_start3A_222] : memref<2560x128xf32, #tpu.memory_space<vmem_shared>> -> memref<80x128xf32, #tpu.memory_space<vmem_shared>>
      tpu.enqueue_dma source(%dma_start3A_223 : memref<80x128xf32, #tpu.memory_space<vmem_shared>>) target(%dma_start3A_221 : memref<80x128xf32, #tpu.memory_space<hbm>>) target_semaphore(%arg31 : memref<!tpu.dma_semaphore, #tpu.memory_space<semaphore_mem>>)
    }
    %scan3A_15 = arith.constant 62 : i32
    %mul3A_16 = arith.constant 2 : i32
    %mul3A_17 = arith.muli %mul3A_16, %arg1 : i32
    %add3A_18 = arith.constant 0 : i32
    %add3A_19 = arith.addi %mul3A_17, %add3A_18 : i32
    %mul3A_20 = arith.constant 80 : i32
    %mul3A_21 = arith.muli %add3A_19, %mul3A_20 : i32
    %mul3A_22 = arith.constant 2 : i32
    %mul3A_23 = arith.muli %mul3A_22, %arg1 : i32
    %add3A_24 = arith.constant 0 : i32
    %add3A_25 = arith.addi %mul3A_23, %add3A_24 : i32
    %mul3A_26 = arith.constant 80 : i32
    %mul3A_27 = arith.muli %add3A_25, %mul3A_26 : i32
    %add3A_28 = arith.constant 9760 : i32
    %add3A_29 = arith.addi %mul3A_2, %add3A_28 : i32
    %dma_wait3A = arith.constant 0 : i32
    %dma_wait3A_30 = tpu.memref_slice %arg8[%add3A_29, %dma_wait3A] : memref<320000x128xf32, #tpu.memory_space<hbm>> -> memref<80x128xf32, #tpu.memory_space<hbm>>
    %dma_wait3A_31 = arith.constant 0 : i32
    %dma_wait3A_32 = tpu.memref_slice %arg23[%mul3A_27, %dma_wait3A_31] : memref<2560x128xf32, #tpu.memory_space<vmem_shared>> -> memref<80x128xf32, #tpu.memory_space<vmem_shared>>
    tpu.wait_dma2 semaphore(%arg30 : memref<!tpu.dma_semaphore, #tpu.memory_space<semaphore_mem>>) src(%dma_wait3A_32 : memref<80x128xf32, #tpu.memory_space<vmem_shared>>) dst(%dma_wait3A_30 : memref<80x128xf32, #tpu.memory_space<hbm>>)
    %dma_start3A = arith.constant 9920 : i32
    %dma_start3A_33 = tpu.memref_slice %arg9[%dma_start3A] : memref<10000xi32, #tpu.memory_space<vmem>> -> memref<80xi32, #tpu.memory_space<vmem>>
    %dma_start3A_34 = arith.constant 0 : i32
    %dma_start3A_35 = arith.constant 0 : i32
    %dma_start3A_36 = tpu.memref_slice %arg20[%dma_start3A_34, %dma_start3A_35] : memref<100x128xf32, #tpu.memory_space<vmem_shared>> -> memref<100x128xf32, #tpu.memory_space<vmem_shared>>
    tpu.enqueue_indirect_dma source(%dma_start3A_36 : memref<100x128xf32, #tpu.memory_space<vmem_shared>>) target(%arg14 : memref<80x128xf32, #tpu.memory_space<vmem>>) offsets(%dma_start3A_33 : memref<80xi32, #tpu.memory_space<vmem>>) semaphore(%arg24 : memref<!tpu.dma_semaphore, #tpu.memory_space<semaphore_mem>>)
    %dma_start3A_37 = arith.constant 9920 : i32
    %dma_start3A_38 = tpu.memref_slice %arg10[%dma_start3A_37] : memref<10000xi32, #tpu.memory_space<vmem>> -> memref<80xi32, #tpu.memory_space<vmem>>
    %dma_start3A_39 = arith.constant 0 : i32
    %dma_start3A_40 = arith.constant 0 : i32
    %dma_start3A_41 = tpu.memref_slice %arg21[%dma_start3A_39, %dma_start3A_40] : memref<100x128xf32, #tpu.memory_space<vmem_shared>> -> memref<100x128xf32, #tpu.memory_space<vmem_shared>>
    tpu.enqueue_indirect_dma source(%dma_start3A_41 : memref<100x128xf32, #tpu.memory_space<vmem_shared>>) target(%arg15 : memref<80x128xf32, #tpu.memory_space<vmem>>) offsets(%dma_start3A_38 : memref<80xi32, #tpu.memory_space<vmem>>) semaphore(%arg25 : memref<!tpu.dma_semaphore, #tpu.memory_space<semaphore_mem>>)
    %dma_start3A_42 = arith.constant 9920 : i32
    %dma_start3A_43 = tpu.memref_slice %arg11[%dma_start3A_42] : memref<10000xi32, #tpu.memory_space<vmem>> -> memref<80xi32, #tpu.memory_space<vmem>>
    %dma_start3A_44 = arith.constant 0 : i32
    %dma_start3A_45 = arith.constant 0 : i32
    %dma_start3A_46 = tpu.memref_slice %arg22[%dma_start3A_44, %dma_start3A_45] : memref<100x128xf32, #tpu.memory_space<vmem_shared>> -> memref<100x128xf32, #tpu.memory_space<vmem_shared>>
    tpu.enqueue_indirect_dma source(%dma_start3A_46 : memref<100x128xf32, #tpu.memory_space<vmem_shared>>) target(%arg16 : memref<80x128xf32, #tpu.memory_space<vmem>>) offsets(%dma_start3A_43 : memref<80xi32, #tpu.memory_space<vmem>>) semaphore(%arg26 : memref<!tpu.dma_semaphore, #tpu.memory_space<semaphore_mem>>)
    %dma_wait3A_47 = arith.constant 9920 : i32
    %dma_wait3A_48 = tpu.memref_slice %arg9[%dma_wait3A_47] : memref<10000xi32, #tpu.memory_space<vmem>> -> memref<80xi32, #tpu.memory_space<vmem>>
    %dma_wait3A_49 = arith.constant 0 : i32
    %dma_wait3A_50 = arith.constant 0 : i32
    %dma_wait3A_51 = tpu.memref_slice %arg20[%dma_wait3A_49, %dma_wait3A_50] : memref<100x128xf32, #tpu.memory_space<vmem_shared>> -> memref<100x128xf32, #tpu.memory_space<vmem_shared>>
    tpu.wait_indirect_dma semaphore(%arg24 : memref<!tpu.dma_semaphore, #tpu.memory_space<semaphore_mem>>) src(%dma_wait3A_51 : memref<100x128xf32, #tpu.memory_space<vmem_shared>>) dst(%arg14 : memref<80x128xf32, #tpu.memory_space<vmem>>)
    "tpu.region"() ({
      %run_scoped3A = tpu.sem_alloc : memref<!tpu.dma_semaphore, #tpu.memory_space<semaphore_mem>>
      %dma_start3A_98 = arith.constant 0 : i32
      %dma_start3A_99 = tpu.memref_slice %arg23[%mul3A_21, %dma_start3A_98] : memref<2560x128xf32, #tpu.memory_space<vmem_shared>> -> memref<80x128xf32, #tpu.memory_space<vmem_shared>>
      %dma_start3A_100 = arith.constant 0 : i32
      %dma_start3A_101 = tpu.memref_slice %arg23[%mul3A_21, %dma_start3A_100] : memref<2560x128xf32, #tpu.memory_space<vmem_shared>> -> memref<80x128xf32, #tpu.memory_space<vmem_shared>>
      tpu.enqueue_dma source(%arg14 : memref<80x128xf32, #tpu.memory_space<vmem>>) target(%dma_start3A_101 : memref<80x128xf32, #tpu.memory_space<vmem_shared>>) target_semaphore(%run_scoped3A : memref<!tpu.dma_semaphore, #tpu.memory_space<semaphore_mem>>)
      %dma_wait3A_102 = arith.constant 0 : i32
      %dma_wait3A_103 = tpu.memref_slice %arg23[%mul3A_21, %dma_wait3A_102] : memref<2560x128xf32, #tpu.memory_space<vmem_shared>> -> memref<80x128xf32, #tpu.memory_space<vmem_shared>>
      %dma_wait3A_104 = arith.constant 0 : i32
      %dma_wait3A_105 = tpu.memref_slice %arg23[%mul3A_21, %dma_wait3A_104] : memref<2560x128xf32, #tpu.memory_space<vmem_shared>> -> memref<80x128xf32, #tpu.memory_space<vmem_shared>>
      tpu.wait_dma2 semaphore(%run_scoped3A : memref<!tpu.dma_semaphore, #tpu.memory_space<semaphore_mem>>) src(%arg14 : memref<80x128xf32, #tpu.memory_space<vmem>>) dst(%dma_wait3A_105 : memref<80x128xf32, #tpu.memory_space<vmem_shared>>)
      tpu.yield
    }) : () -> ()
    %dma_wait3A_52 = arith.constant 9920 : i32
    %dma_wait3A_53 = tpu.memref_slice %arg10[%dma_wait3A_52] : memref<10000xi32, #tpu.memory_space<vmem>> -> memref<80xi32, #tpu.memory_space<vmem>>
    %dma_wait3A_54 = arith.constant 0 : i32
    %dma_wait3A_55 = arith.constant 0 : i32
    %dma_wait3A_56 = tpu.memref_slice %arg21[%dma_wait3A_54, %dma_wait3A_55] : memref<100x128xf32, #tpu.memory_space<vmem_shared>> -> memref<100x128xf32, #tpu.memory_space<vmem_shared>>
    tpu.wait_indirect_dma semaphore(%arg25 : memref<!tpu.dma_semaphore, #tpu.memory_space<semaphore_mem>>) src(%dma_wait3A_56 : memref<100x128xf32, #tpu.memory_space<vmem_shared>>) dst(%arg15 : memref<80x128xf32, #tpu.memory_space<vmem>>)
    "tpu.region"() ({
      %run_scoped3A = tpu.sem_alloc : memref<!tpu.dma_semaphore, #tpu.memory_space<semaphore_mem>>
      %dma_start3A_98 = arith.constant 0 : i32
      %dma_start3A_99 = arith.constant 0 : i32
      %dma_start3A_100 = tpu.memref_slice %arg23[%dma_start3A_98, %dma_start3A_99] : memref<2560x128xf32, #tpu.memory_space<vmem_shared>> -> memref<2560x128xf32, #tpu.memory_space<vmem_shared>>
      tpu.enqueue_indirect_dma source(%arg15 : memref<80x128xf32, #tpu.memory_space<vmem>>) target(%dma_start3A_100 : memref<2560x128xf32, #tpu.memory_space<vmem_shared>>) offsets(%arg12 : memref<80xi32, #tpu.memory_space<vmem>>) semaphore(%run_scoped3A : memref<!tpu.dma_semaphore, #tpu.memory_space<semaphore_mem>>) {add = true}
      %dma_wait3A_101 = arith.constant 0 : i32
      %dma_wait3A_102 = arith.constant 0 : i32
      %dma_wait3A_103 = tpu.memref_slice %arg23[%dma_wait3A_101, %dma_wait3A_102] : memref<2560x128xf32, #tpu.memory_space<vmem_shared>> -> memref<2560x128xf32, #tpu.memory_space<vmem_shared>>
      tpu.wait_indirect_dma semaphore(%run_scoped3A : memref<!tpu.dma_semaphore, #tpu.memory_space<semaphore_mem>>) src(%arg15 : memref<80x128xf32, #tpu.memory_space<vmem>>) dst(%dma_wait3A_103 : memref<2560x128xf32, #tpu.memory_space<vmem_shared>>)
      tpu.yield
    }) : () -> ()
    %dma_wait3A_57 = arith.constant 9920 : i32
    %dma_wait3A_58 = tpu.memref_slice %arg11[%dma_wait3A_57] : memref<10000xi32, #tpu.memory_space<vmem>> -> memref<80xi32, #tpu.memory_space<vmem>>
    %dma_wait3A_59 = arith.constant 0 : i32
    %dma_wait3A_60 = arith.constant 0 : i32
    %dma_wait3A_61 = tpu.memref_slice %arg22[%dma_wait3A_59, %dma_wait3A_60] : memref<100x128xf32, #tpu.memory_space<vmem_shared>> -> memref<100x128xf32, #tpu.memory_space<vmem_shared>>
    tpu.wait_indirect_dma semaphore(%arg26 : memref<!tpu.dma_semaphore, #tpu.memory_space<semaphore_mem>>) src(%dma_wait3A_61 : memref<100x128xf32, #tpu.memory_space<vmem_shared>>) dst(%arg16 : memref<80x128xf32, #tpu.memory_space<vmem>>)
    "tpu.region"() ({
      %run_scoped3A = tpu.sem_alloc : memref<!tpu.dma_semaphore, #tpu.memory_space<semaphore_mem>>
      %dma_start3A_98 = arith.constant 0 : i32
      %dma_start3A_99 = arith.constant 0 : i32
      %dma_start3A_100 = tpu.memref_slice %arg23[%dma_start3A_98, %dma_start3A_99] : memref<2560x128xf32, #tpu.memory_space<vmem_shared>> -> memref<2560x128xf32, #tpu.memory_space<vmem_shared>>
      tpu.enqueue_indirect_dma source(%arg16 : memref<80x128xf32, #tpu.memory_space<vmem>>) target(%dma_start3A_100 : memref<2560x128xf32, #tpu.memory_space<vmem_shared>>) offsets(%arg12 : memref<80xi32, #tpu.memory_space<vmem>>) semaphore(%run_scoped3A : memref<!tpu.dma_semaphore, #tpu.memory_space<semaphore_mem>>) {add = true}
      %dma_wait3A_101 = arith.constant 0 : i32
      %dma_wait3A_102 = arith.constant 0 : i32
      %dma_wait3A_103 = tpu.memref_slice %arg23[%dma_wait3A_101, %dma_wait3A_102] : memref<2560x128xf32, #tpu.memory_space<vmem_shared>> -> memref<2560x128xf32, #tpu.memory_space<vmem_shared>>
      tpu.wait_indirect_dma semaphore(%run_scoped3A : memref<!tpu.dma_semaphore, #tpu.memory_space<semaphore_mem>>) src(%arg16 : memref<80x128xf32, #tpu.memory_space<vmem>>) dst(%dma_wait3A_103 : memref<2560x128xf32, #tpu.memory_space<vmem_shared>>)
      tpu.yield
    }) : () -> ()
    %mul3A_62 = arith.constant 2 : i32
    %mul3A_63 = arith.muli %mul3A_62, %arg1 : i32
    %add3A_64 = arith.constant 0 : i32
    %add3A_65 = arith.addi %mul3A_63, %add3A_64 : i32
    %mul3A_66 = arith.constant 80 : i32
    %mul3A_67 = arith.muli %add3A_65, %mul3A_66 : i32
    %add3A_68 = arith.constant 9920 : i32
    %add3A_69 = arith.addi %mul3A_2, %add3A_68 : i32
    %dma_start3A_70 = arith.constant 0 : i32
    %dma_start3A_71 = tpu.memref_slice %arg8[%add3A_69, %dma_start3A_70] : memref<320000x128xf32, #tpu.memory_space<hbm>> -> memref<80x128xf32, #tpu.memory_space<hbm>>
    %dma_start3A_72 = arith.constant 0 : i32
    %dma_start3A_73 = tpu.memref_slice %arg23[%mul3A_67, %dma_start3A_72] : memref<2560x128xf32, #tpu.memory_space<vmem_shared>> -> memref<80x128xf32, #tpu.memory_space<vmem_shared>>
    tpu.enqueue_dma source(%dma_start3A_73 : memref<80x128xf32, #tpu.memory_space<vmem_shared>>) target(%dma_start3A_71 : memref<80x128xf32, #tpu.memory_space<hbm>>) target_semaphore(%arg30 : memref<!tpu.dma_semaphore, #tpu.memory_space<semaphore_mem>>)
    %mul3A_74 = arith.constant 2 : i32
    %mul3A_75 = arith.muli %mul3A_74, %arg1 : i32
    %add3A_76 = arith.constant 0 : i32
    %add3A_77 = arith.addi %mul3A_75, %add3A_76 : i32
    %mul3A_78 = arith.constant 80 : i32
    %mul3A_79 = arith.muli %add3A_77, %mul3A_78 : i32
    %add3A_80 = arith.constant 9920 : i32
    %add3A_81 = arith.addi %mul3A_2, %add3A_80 : i32
    %dma_wait3A_82 = arith.constant 0 : i32
    %dma_wait3A_83 = tpu.memref_slice %arg8[%add3A_81, %dma_wait3A_82] : memref<320000x128xf32, #tpu.memory_space<hbm>> -> memref<80x128xf32, #tpu.memory_space<hbm>>
    %dma_wait3A_84 = arith.constant 0 : i32
    %dma_wait3A_85 = tpu.memref_slice %arg23[%mul3A_79, %dma_wait3A_84] : memref<2560x128xf32, #tpu.memory_space<vmem_shared>> -> memref<80x128xf32, #tpu.memory_space<vmem_shared>>
    tpu.wait_dma2 semaphore(%arg30 : memref<!tpu.dma_semaphore, #tpu.memory_space<semaphore_mem>>) src(%dma_wait3A_85 : memref<80x128xf32, #tpu.memory_space<vmem_shared>>) dst(%dma_wait3A_83 : memref<80x128xf32, #tpu.memory_space<hbm>>)
    %mul3A_86 = arith.constant 2 : i32
    %mul3A_87 = arith.muli %mul3A_86, %arg1 : i32
    %add3A_88 = arith.constant 1 : i32
    %add3A_89 = arith.addi %mul3A_87, %add3A_88 : i32
    %mul3A_90 = arith.constant 80 : i32
    %mul3A_91 = arith.muli %add3A_89, %mul3A_90 : i32
    %add3A_92 = arith.constant 9840 : i32
    %add3A_93 = arith.addi %mul3A_2, %add3A_92 : i32
    %dma_wait3A_94 = arith.constant 0 : i32
    %dma_wait3A_95 = tpu.memref_slice %arg8[%add3A_93, %dma_wait3A_94] : memref<320000x128xf32, #tpu.memory_space<hbm>> -> memref<80x128xf32, #tpu.memory_space<hbm>>
    %dma_wait3A_96 = arith.constant 0 : i32
    %dma_wait3A_97 = tpu.memref_slice %arg23[%mul3A_91, %dma_wait3A_96] : memref<2560x128xf32, #tpu.memory_space<vmem_shared>> -> memref<80x128xf32, #tpu.memory_space<vmem_shared>>
    tpu.wait_dma2 semaphore(%arg31 : memref<!tpu.dma_semaphore, #tpu.memory_space<semaphore_mem>>) src(%dma_wait3A_97 : memref<80x128xf32, #tpu.memory_space<vmem_shared>>) dst(%dma_wait3A_95 : memref<80x128xf32, #tpu.memory_space<hbm>>)
    return
  }
}

</mosaic_0001>

<sc_bundles>
// kernel: kernel.3.cloned.1.call-start
scs
__scs_entry_jumppad:
0x0: {  	(pc) =	sbr.rel $0x88, $3  }
0x1: {  	(tag) =	ssettag $0x0;
	lr =	simm.s32 $0x1  }
0x2: {  	[smem:$0x3F9D] =	sst lr;
	_ =	strace $0xD0000000  }
0x3: {  	_ = 	snop  }
0x4: {  	_ = 	snop  }
0x5: {  	_ = 	snop  }
0x6: {  	_ = 	snop  }
0x7: {  	_ = 	snop  }
__scs_overlays_trampoline_lowered:
0x8: {  	[smem:$0x3FAC] =	sst s0  }
0x9: {  	[smem:$0x3FAD] =	sst s1  }
0xa: {  	[smem:$0x3FAE] =	sst s2  }
0xb: {  	[smem:$0x3FAF] =	sst s3  }
0xc: {  	[smem:$0x3FB0] =	sst s4  }
0xd: {  	[smem:$0x3FB1] =	sst s5  }
0xe: {  	[smem:$0x3FB2] =	sst s6  }
0xf: {  	[smem:$0x3FB3] =	sst s7  }
0x10: {  	[smem:$0x3FB4] =	sst s8  }
0x11: {  	[smem:$0x3FB5] =	sst s9;
	s0 =	simm.s32 @!p0 $0x0  }
0x12: {  	s1 =	sld [smem:$0x3F9B];
	s0 =	simm.s32 @p0 $0x1  }
0x13: {  	[smem:$0x3FB6] =	sst s0;
	s0 =	simm.s32 @!p1 $0x0  }
0x14: {  	s2 =	sld [smem:$0x3F9A];
	s0 =	simm.s32 @p1 $0x1  }
0x15: {  	[smem:$0x3FB7] =	sst s0;
	s0 =	simm.s32 @!p2 $0x0  }
0x16: {  	s3 =	sld [smem:$0x3FDB];
	s0 =	simm.s32 @p2 $0x1  }
0x17: {  	s4 =	simm.s32 $0x1BF5;
	[smem:$0x3FB9] =	sst s0  }
0x18: {  	s0 =	sld [smem:$0x3F9C];
	_ =	swait.ge [sflag:s4], $0x0  }
0x19: {  	s7 =	sld [smem:$0x3F9D]  }
0x1a: {  	s8 =	sadd.s32 $0xFFFFE003, lr  }
0x1b: {  	s9 =	sadd.s32 $0xFFFFFEF7, lr;
	s5 =	simm.s32 $0xFFFFFFFF;
	p2 =	slt.u32 s8, $0xFFFFF086  }
0x1c: {  	p1 =	slt.u32 s9, $0xF7A;
	s5 =	simm.s32 @!p2 $0x0  }
0x1d: {  	s5 =	simm.s32 @p1 $0x1;
	p0 =	seq.s32 s7, s2  }
0x1e: {  	s7 =	smul.u32 @!p0 $0xF7A, s2;
	p2 =	seq.s32 @!p0 s5, $0x0  }
0x1f: {  	s9 =	smul.u32 $0xF7A, s1;
	s8 =	simm.s32 @!p0 $0x1BF5;
	p2 =	por !p2, p0  }
0x20: {  	[sflag:s8] =	ssyncset.s32 @!p0 $0xFFFFF086;
	s6 =	sadd.s32 @!p0 s3, s7;
	s7 =	simm.s32 @!p0 $0x108  }
0x21: {  	s3 =	sadd.s32 s3, s9;
	s6 =	sadd.s32 @!p0 $0x88, s6;
	s7 =	simm.s32 @p2 $0x1082  }
0x22: {  	[simem:s7], [sflag:s8] =	dma.local @!p0 [hbm:s6], $0xF7A  }
0x23: {  	s9 =	sor.u32 $0xD0000000, s2;
	s6 =	simm.s32 $0x108;
	_ =	swait.ge @!p0 [sflag:s8], $0x0  }
0x24: {  	s3 =	sadd.s32 $0x88, s3;
	s6 =	simm.s32 @!p1 $0x1082;
	[sflag:s4] =	ssyncset.s32 $0xFFFFF086  }
0x25: {  	[simem:s6], [sflag:s4] =	dma.local [hbm:s3], $0xF7A  }
0x26: {  	[smem:$0x3F9D] =	sst s1;
	(tag) =	ssettag s2;
	_ =	strace s9  }
0x27: {  	s1 =	sld [smem:$0x3FAD]  }
0x28: {  	s2 =	sld [smem:$0x3FAE]  }
0x29: {  	s4 =	sld [smem:$0x3FB0]  }
0x2a: {  	p0 =	seq.s32 s5, $0x0;
	s5 =	sld [smem:$0x3FB1]  }
0x2b: {  	s6 =	sld [smem:$0x3FB2]  }
0x2c: {  	s7 =	sld [smem:$0x3FB3]  }
0x2d: {  	s3 =	simm.s32 $0x108;
	s8 =	sld [smem:$0x3FB4]  }
0x2e: {  	s3 =	simm.s32 @!p0 $0x1082;
	s9 =	sld [smem:$0x3FB5]  }
0x2f: {  	lr =	sadd.s32 s0, s3;
	s0 =	sld [smem:$0x3FAC]  }
0x30: {  	s3 =	sld [smem:$0x3FAF]  }
0x31: {  	[smem:$0x3FB8] =	sst s10  }
0x32: {  	s10 =	sld [smem:$0x3FB6];
	_ =	sdelay $0x3  }
0x33: {  	p0 =	seq.s32 s10, $0x1;
	s10 =	sld [smem:$0x3FB8];
	_ =	sdelay $0x3  }
0x34: {  	[smem:$0x3FB8] =	sst s10  }
0x35: {  	s10 =	sld [smem:$0x3FB7];
	_ =	sdelay $0x3  }
0x36: {  	p1 =	seq.s32 s10, $0x1;
	s10 =	sld [smem:$0x3FB8];
	_ =	sdelay $0x3  }
0x37: {  	[smem:$0x3FB8] =	sst s10  }
0x38: {  	s10 =	sld [smem:$0x3FB9]  }
0x39: {  	_ = 	snop;
	(pc) =	sbr.ind lr, $3  }
0x3a: {  	_ = 	snop  }
0x3b: {  	_ = 	snop  }
0x3c: {  	p2 =	seq.s32 s10, $0x1;
	s10 =	sld [smem:$0x3FB8]  }
0x3d: {  	_ =	shalt  }
0x3e: {  	_ =	shalt  }
0x3f: {  	_ =	shalt  }
0x40: {  	_ =	shalt  }
0x41: {  	_ =	shalt  }
0x42: {  	_ =	shalt  }
0x43: {  	_ =	shalt  }
0x44: {  	_ =	shalt  }
0x45: {  	_ =	shalt  }
0x46: {  	_ =	shalt  }
0x47: {  	_ =	shalt  }
0x48: {  	_ =	shalt  }
0x49: {  	_ =	shalt  }
0x4a: {  	_ =	shalt  }
0x4b: {  	_ =	shalt  }
0x4c: {  	_ =	shalt  }
0x4d: {  	_ =	shalt  }
0x4e: {  	_ =	shalt  }
0x4f: {  	_ =	shalt  }
0x50: {  	_ =	shalt  }
0x51: {  	_ =	shalt  }
0x52: {  	_ =	shalt  }
0x53: {  	_ =	shalt  }
0x54: {  	_ =	shalt  }
0x55: {  	_ =	shalt  }
0x56: {  	_ =	shalt  }
0x57: {  	_ =	shalt  }
0x58: {  	_ =	shalt  }
0x59: {  	_ =	shalt  }
0x5a: {  	_ =	shalt  }
0x5b: {  	_ =	shalt  }
0x5c: {  	_ =	shalt  }
0x5d: {  	_ =	shalt  }
0x5e: {  	_ =	shalt  }
0x5f: {  	_ =	shalt  }
0x60: {  	_ =	shalt  }
0x61: {  	_ =	shalt  }
0x62: {  	_ =	shalt  }
0x63: {  	_ =	shalt  }
0x64: {  	_ =	shalt  }
0x65: {  	_ =	shalt  }
0x66: {  	_ =	shalt  }
0x67: {  	_ =	shalt  }
0x68: {  	_ =	shalt  }
0x69: {  	_ =	shalt  }
0x6a: {  	_ =	shalt  }
0x6b: {  	_ =	shalt  }
0x6c: {  	_ =	shalt  }
0x6d: {  	_ =	shalt  }
0x6e: {  	_ =	shalt  }
0x6f: {  	_ =	shalt  }
0x70: {  	_ =	shalt  }
0x71: {  	_ =	shalt  }
0x72: {  	_ =	shalt  }
0x73: {  	_ =	shalt  }
0x74: {  	_ =	shalt  }
0x75: {  	_ =	shalt  }
0x76: {  	_ =	shalt  }
0x77: {  	_ =	shalt  }
0x78: {  	_ =	shalt  }
0x79: {  	_ =	shalt  }
0x7a: {  	_ =	shalt  }
0x7b: {  	_ =	shalt  }
0x7c: {  	_ =	shalt  }
0x7d: {  	_ =	shalt  }
0x7e: {  	_ =	shalt  }
0x7f: {  	_ =	shalt  }
0x80: {  	_ =	shalt  }
0x81: {  	_ =	shalt  }
0x82: {  	_ =	shalt  }
0x83: {  	_ =	shalt  }
0x84: {  	_ =	shalt  }
0x85: {  	_ =	shalt  }
0x86: {  	_ =	shalt  }
0x87: {  	_ =	shalt  }
.Lfunc_end0:
.L_simem_size_0:
called_computation_lowered:
.L_overlay_start_0:
0x88: {  	s2 =	sld [smem:$0x3FD9]  }
0x89: {  	s3 =	sld [smem:$0x3FFE];
	_ =	sdelay $0x1  }
0x8a: {  	s1 =	srdreg.scid  }
0x8b: {  	s0 =	sand.u32 $0x1, s1  }
0x8c: {  	s17 =	sshll.u32 s0, $0xA;
	s2 =	sadd.s32 s3, s2  }
0x8d: {  	s2 =	sadd.s32 s2, s17  }
0x8e: {  	[smem:$0x3FC4] =	sst s2  }
0x8f: {  	_ = 	snop  }
0x90: {  	s2 =	sld [smem:$0x3FC8]  }
0x91: {  	s18 =	sld [smem:$0x3FC7]  }
0x92: {  	s4 =	sld [smem:$0x3FC6]  }
0x93: {  	s5 =	sld [smem:$0x3FD0];
	(tm) =	ssettm $0x1  }
0x94: {  	s6 =	sld [smem:$0x3FFB];
	_ =	sdelay $0x3  }
0x95: {  	_ =	strace s6  }
0x96: {  	s6 =	sld [smem:$0x3FFC];
	_ =	sdelay $0x3  }
0x97: {  	_ =	strace s6  }
0x98: {  	s6 =	sld [smem:$0x3FFD];
	_ =	sdelay $0x3  }
0x99: {  	_ =	strace s6  }
0x9a: {  	_ =	strace $0x8FFFFFFF  }
0x9b: {  	s19 =	sld [smem:$0x3FDB];
	_ =	sdelay $0x1  }
0x9c: {  	s7 =	simm.s32 $_scs_section_size  }
0x9d: {  	s8 =	simm.s32 $_size__tile_overlayer_lowered;
	s9 =	simm.s32 $_tile_overlayer_lowered  }
0x9e: {  	s22 =	simm.s32 $0x1BFF;
	s21 =	sshll.u32 s9, $0x1;
	s6 =	sadd.s32 s7, s19  }
0x9f: {  	s10 =	simm.s32 $0x0;
	s20 =	sshll.u32 s8, $0x1;
	s8 =	sadd.s32 s21, s6  }
0xa0: {  	[timem:s10], [sflag:s22] =	dma.local [hbm:s8], s20  }
0xa1: {  	_ =	swait.ge [sflag:s22], s20  }
0xa2: {  	s7 =	ssub.s32 $0x0, s20;
	[sflag:s22] =	ssyncset.done $0x0  }
0xa3: {  	[sflag:s22] =	ssyncadd.s32 s7;
	_ =	sdelay $0x1  }
0xa4: {  	s23 =	simm.s32 $0x1B8B  }
0xa5: {  	_ =	swait.ge [sflag:s23], $0x1  }
0xa6: {  	[sflag:s23] =	ssyncset.done $0x0  }
0xa7: {  	s25 =	simm.s32 $0x1B8E;
	s24 =	sld [smem:$0x3FFE];
	[sflag:s23] =	ssyncadd.s32 $0xFFFFFFFF  }
0xa8: {  	s26 =	simm.s32 $execute0_lowered;
	[smem:$0x3FD2] =	sst s25  }
0xa9: {  	s8 =	sshll.u32 s26, $0x1;
	_ =	strace $0x80000046;
	[dreg:$0x1] =	wrdreg $0xFFFFFFFF  }
0xaa: {  	s28 =	simm.s32 $_size_execute0_lowered;
	s6 =	sadd.s32 s6, s8;
	[dreg:$0x0] =	wrdreg $0x0  }
0xab: {  	s8 =	sshll.u32 s28, $0x1;
	[dreg:$0x2] =	wrdreg s6  }
0xac: {  	[dreg:$0x3] =	wrdreg s8  }
0xad: {  	[dreg:$0x4] =	wrdreg $0xC0  }
0xae: {  	_ =	task [dreg:s10], $0x5FFFF  }
0xaf: {  	[dreg:$0x1] =	wrdreg $0xFFFFFFFF  }
0xb0: {  	[dreg:$0x0] =	wrdreg $0x60  }
0xb1: {  	[dreg:$0x2] =	wrdreg s24  }
0xb2: {  	[dreg:$0x3] =	wrdreg s2  }
0xb3: {  	[dreg:$0x4] =	wrdreg s18  }
0xb4: {  	[dreg:$0x5] =	wrdreg s4  }
0xb5: {  	[dreg:$0x6] =	wrdreg s5  }
0xb6: {  	[dreg:$0x7] =	wrdreg $0x167800  }
0xb7: {  	[dreg:$0x8] =	wrdreg $0x16AA00  }
0xb8: {  	[dreg:$0x9] =	wrdreg $0x16DC00  }
0xb9: {  	[dreg:$0xa] =	wrdreg $0x170E00  }
0xba: {  	[dreg:$0xb] =	wrdreg $0x9  }
0xbb: {  	_ =	task.clear_ibuf [dreg:s10], $0xCFFFF;
	_ =	strace $0x90000046  }
0xbc: {  	s29 =	simm.s32 $0x9;
	_ =	strace $0x80000048  }
0xbd: {  	_ =	swait.ge [sflag:s29], $0x1  }
0xbe: {  	[sflag:s29] =	ssyncadd.s32 $0xFFFFFFFF  }
0xbf: {  	_ =	strace $0x90000048  }
0xc0: {  	_ =	sfence  }
0xc1: {  	s30 =	sld [smem:$0x0];
	_ =	sdelay $0x2  }
0xc2: {  	s31 =	sshll.u32 s1, $0xD;
	s1 =	sshrl.u32 s1, $0x2  }
0xc3: {  	s3 =	sand.u32 $0x4000, s31;
	s1 =	sadd.s32 s1, s30  }
0xc4: {  	s0 =	sor.u32 s3, s0;
	s1 =	sshll.u32 s1, $0x11  }
0xc5: {  	s0 =	sor.u32 s1, s0  }
0xc6: {  	s0 =	sadd.s32 $0x8F2B, s0  }
0xc7: {  	[sflag:s0] =	ssyncadd.remote.s32 $0x1  }
0xc8: {  	_ =	sfence.sel $0xFFFF  }
0xc9: {  	[dreg:$0x0] =	wrdreg $0xFFFFFFFF;
	(pc) =	sbr.abs _section_cstart, $3  }
0xca: {  	[dreg:$0x1] =	wrdreg $0xFFFFFFFF  }
0xcb: {  	_ =	task.clear_ibuf [dreg:s10], $0x2FFFF;
	_ =	strace $0x9FFFFFFF  }
0xcc: {  	(tm) =	ssettm $0x7FFFFFFF  }
0xcd: {  	_ =	shalt  }
tec
execute0_lowered:
.L_overlay_start_1:
0x0: {  	(tag) =	ssettag $0x1  }
0x1: {  	s0 =	rddreg [dreg:$0x0]  }
0x2: {  	s1 =	rddreg [dreg:$0x4]  }
0x3: {  	s3 =	rddreg [dreg:$0x5]  }
0x4: {  	s4 =	rddreg [dreg:$0x6]  }
0x5: {  	s5 =	rddreg [dreg:$0x7]  }
0x6: {  	s2 =	srdreg.scid;
	s12 =	stileid.u32  }
0x7: {  	s8 =	rddreg [dreg:$0x8];
	s7 =	simm.s32 $0x0;
	s28 =	simm.s32 $0xC780  }
0x8: {  	s29 =	simm.s32 $0x1;
	s30 =	simm.s32 $0x2;
	s10 =	smul.u32 $0xA0, s12  }
0x9: {  	s31 =	simm.s32 $0x7680;
	s2 =	sand.u32 $0x1, s2;
	s16 =	smul.u32 $0x14000, s12  }
0xa: {  	s6 =	sshll.u32 s12, $0x1;
	[smem:$0x7FF] =	sst s7;
	s21 =	smul.u32 $0x4E200, s12  }
0xb: {  	s6 =	sor.u32 s2, s6;
	s9 =	ssub.s32 $0x2, s2;
	s2 =	smul.u32 $0x27100, s2  }
0xc: {  	p0 =	sne.s32 s12, $0x0;
	_ =	strace $0x80000047;
	s15 =	smul.u32 $0x2710, s6  }
0xd: {  	s11 =	sshrl.u32 s9, $0x1;
	s6 =	smul.u32 $0x138800, s6;
	s20 =	sadd.s32 $0x50, s10  }
0xe: {  	s17 =	ssub.s32 s9, s11;
	s11 =	simm.s32 $0x6;
	s7 =	sshrl.u32 s15, $0x3  }
0xf: {  	s6 =	sshrl.u32 s6, $0x3;
	s26 =	smax.u32 s17, $0x1;
	s13 =	sadd.s32 s0, s7  }
0x10: {  	s0 =	sshrl.u32 s16, $0x2;
	s23 =	sadd.s32 s1, s6;
	s1 =	sadd.s32 s21, s1  }
0x11: {  	[dreg:$0x10] =	wrdreg s26;
	s21 =	simm.s32 $0x9;
	s26 =	simm.s32 $0x9F80  }
0x12: {  	s6 =	simm.s32 $0x3;
	s18 =	sadd.s32 $0x13C00, s13;
	[dreg:$0xc] =	wrdreg s13  }
0x13: {  	s7 =	simm.s32 $0x7700;
	s19 =	sadd.s32 $0x9E00, s13;
	[dreg:$0xd] =	wrdreg s18  }
0x14: {  	s22 =	sadd.s32 s0, s8;
	s0 =	sadd.s32 $0x26C00, s23;
	[dreg:$0xe] =	wrdreg s19  }
0x15: {  	s25 =	sadd.s32 s2, s1;
	s1 =	simm.s32 $0x11780;
	[dreg:$0xa] =	wrdreg s22  }
0x16: {  	v5 =	vlaneseq.u32;
	s2 =	simm.s32 $0x13F80;
	s24 =	sadd.s32 $0x2800, s22;
	[dreg:$0xf] =	wrdreg s0  }
0x17: {  	v6 =	vor.u32 $0x10, v5;
	v7 =	vor.u32 $0x20, v5;
	s23 =	simm.s32 $0x5;
	s0 =	sadd.s32 $0x500, s25;
	[dreg:$0xb] =	wrdreg s24  }
0x18: {  	v8 =	vor.u32 $0x30, v5;
	v9 =	vor.u32 $0x40, v5;
	v0 =	vor.u32 s10, v5;
	s25 =	simm.s32 $0x7780;
	[dreg:$0x11] =	wrdreg s0;
	s0 =	sshrl.u32 @!p0 s3, $0x3  }
0x19: {  	v1 =	vor.u32 s10, v6;
	v2 =	vadd.s32 s10, v7;
	v3 =	vadd.s32 s10, v8;
	s22 =	simm.s32 $0x4;
	[dreg:$0x12] =	wrdreg s0;
	s0 =	sshrl.u32 @!p0 s4, $0x3  }
0x1a: {  	v4 =	vadd.s32 s10, v9;
	v5 =	vor.u32 s20, v5;
	v6 =	vadd.s32 s20, v6;
	s24 =	simm.s32 $0x50;
	[dreg:$0x13] =	wrdreg s0;
	s0 =	sshrl.u32 @!p0 s5, $0x3  }
0x1b: {  	v7 =	vadd.s32 s20, v7;
	v8 =	vadd.s32 s20, v8;
	v9 =	vadd.s32 s20, v9;
	s5 =	simm.s32 $0x0;
	[dreg:$0x14] =	wrdreg s0;
	s0 =	simm.s32 $0xEF80  }
.LBB2_1:
0x1c: {  	[dreg:$0x15] =	wrdreg s5  }
0x1d: {  	s3 =	rddreg [dreg:$0x1]  }
0x1e: {  	s9 =	simm.s32 @!p0 $0x1C09;
	s4 =	rddreg [dreg:$0x12];
	s10 =	simm.s32 @!p0 $0x9  }
0x1f: {  	[spmem:s4], [sflag:s9] =	dma.local @!p0 [hbm:s3], $0x640  }
0x20: {  	_ =	swait.ge @!p0 [sflag:s10], $0x640  }
0x21: {  	[sflag:s10] =	ssyncset.done @!p0 $0x0  }
0x22: {  	s4 =	rddreg [dreg:$0x13];
	[sflag:s10] =	ssyncadd.s32 @!p0 $0xFFFFF9C0  }
0x23: {  	s3 =	rddreg [dreg:$0x2]  }
0x24: {  	[spmem:s4], [sflag:s9] =	dma.local @!p0 [hbm:s3], $0x640  }
0x25: {  	_ =	swait.ge @!p0 [sflag:s10], $0x640  }
0x26: {  	[sflag:s10] =	ssyncset.done @!p0 $0x0  }
0x27: {  	s4 =	rddreg [dreg:$0x14];
	[sflag:s10] =	ssyncadd.s32 @!p0 $0xFFFFF9C0  }
0x28: {  	s3 =	rddreg [dreg:$0x3]  }
0x29: {  	[spmem:s4], [sflag:s9] =	dma.local @!p0 [hbm:s3], $0x640  }
0x2a: {  	_ =	swait.ge @!p0 [sflag:s10], $0x640  }
0x2b: {  	[sflag:s10] =	ssyncset.done @!p0 $0x0  }
0x2c: {  	s15 =	simm.s32 $0x0;
	s16 =	rddreg [dreg:$0xd];
	[sflag:s10] =	ssyncadd.s32 @!p0 $0xFFFFF9C0  }
0x2d: {  	[tilespmem:s15], [sflag:$0x9] =	stream.linear.gather [hbm4b:s16+s15], $0x2710, $0x38;
	[tilespmem:$0x1C0E0] =	vst v63  }
0x2e: {  	_ =	swait.ge [sflag:s21], $0x2710  }
0x2f: {  	[sflag:s21] =	ssyncset.done $0x0  }
0x30: {  	s18 =	simm.s32 $0x2780;
	s17 =	rddreg [dreg:$0xe];
	[sflag:s21] =	ssyncadd.s32 $0xFFFFD8F0  }
0x31: {  	[tilespmem:s18], [sflag:$0x9] =	stream.linear.gather [hbm4b:s17+s15], $0x2710, $0x38;
	[tilespmem:$0x1C0E0] =	vst v63  }
0x32: {  	_ =	swait.ge [sflag:s21], $0x2710  }
0x33: {  	[sflag:s21] =	ssyncset.done $0x0  }
0x34: {  	s20 =	simm.s32 $0x4F00;
	s19 =	rddreg [dreg:$0xc];
	[sflag:s21] =	ssyncadd.s32 $0xFFFFD8F0  }
0x35: {  	[tilespmem:s20], [sflag:$0x9] =	stream.linear.gather [hbm4b:s19+s15], $0x2710, $0x38;
	[tilespmem:$0x1C0E0] =	vst v63  }
0x36: {  	_ =	swait.ge [sflag:s21], $0x2710  }
0x37: {  	[sflag:s21] =	ssyncset.done $0x0  }
0x38: {  	[sflag:s21] =	ssyncadd.s32 $0xFFFFD8F0  }
0x39: {  	[tilespmem:$0x7680] =	vst v0  }
0x3a: {  	[tilespmem:$0x7700] =	vst v5  }
0x3b: {  	[tilespmem:$0x7690] =	vst v1  }
0x3c: {  	[tilespmem:$0x7710] =	vst v6  }
0x3d: {  	[tilespmem:$0x76A0] =	vst v2  }
0x3e: {  	[tilespmem:$0x7720] =	vst v7  }
0x3f: {  	[tilespmem:$0x76B0] =	vst v3  }
0x40: {  	[tilespmem:$0x7730] =	vst v8  }
0x41: {  	[tilespmem:$0x76C0] =	vst v4  }
0x42: {  	p1 =	por $0x1, $0x1;
	[tilespmem:$0x7740] =	vst v9  }
0x43: {  	s9 =	simm.s32 @!p1 $0x7;
	[bflag:$0x0] =	sbarrier.arrive $0xFFFF  }
0x44: {  	_ =	swait.ge @!p1 [sflag:s9], $0x500  }
0x45: {  	[sflag:s9] =	ssyncset.done @!p1 $0x0  }
0x46: {  	[sflag:s9] =	ssyncadd.s32 @!p1 $0xFFFFFB00  }
0x47: {  	s3 =	simm.s32 $0x0;
	s4 =	rddreg [dreg:$0x5]  }
0x48: {  	[tilespmem:s25], [sflag:$0x1] =	stream.indirect.gather [spmem:s4], $0x80, s3, s24, $0xb8;
	[tilespmem:$0x1C0E0] =	vst v63  }
0x49: {  	s16 =	simm.s32 $0x2780;
	s17 =	rddreg [dreg:$0x6]  }
0x4a: {  	[tilespmem:s26], [sflag:$0x2] =	stream.indirect.gather [spmem:s17], $0x80, s16, s24, $0xb8;
	[tilespmem:$0x1C0E0] =	vst v63  }
0x4b: {  	s18 =	simm.s32 $0x4F00;
	s5 =	rddreg [dreg:$0x7]  }
0x4c: {  	[tilespmem:s28], [sflag:$0x3] =	stream.indirect.gather [spmem:s5], $0x80, s18, s24, $0xb8;
	[tilespmem:$0x1C0E0] =	vst v63  }
0x4d: {  	_ =	swait.ge [sflag:s29], $0x2800  }
0x4e: {  	[sflag:s29] =	ssyncset.done $0x0  }
0x4f: {  	s19 =	rddreg [dreg:$0xa];
	[sflag:s29] =	ssyncadd.s32 $0xFFFFD800  }
0x50: {  	[spmem:s19] =	stream.linear.scatter [tilespmem:s25], [sflag:$0x9], $0x2800, $0x38;
	[tilespmem:$0x1C0E0] =	vst v63  }
0x51: {  	_ =	swait.ge [sflag:s21], $0x2800  }
0x52: {  	[sflag:s21] =	ssyncset.done $0x0  }
0x53: {  	[sflag:s21] =	ssyncadd.s32 $0xFFFFD800  }
0x54: {  	_ =	swait.ge [sflag:s30], $0x2800  }
0x55: {  	[sflag:s30] =	ssyncset.done $0x0  }
0x56: {  	[sflag:s30] =	ssyncadd.s32 $0xFFFFD800  }
0x57: {  	[spmem:s8] =	stream.indirect.scatter.add.f32 [tilespmem:s26], [sflag:$0x9], $0x80, s31, s24, $0xb8;
	[tilespmem:$0x1C0E0] =	vst v63  }
0x58: {  	_ =	swait.ge [sflag:s21], $0x2800  }
0x59: {  	[sflag:s21] =	ssyncset.done $0x0  }
0x5a: {  	[sflag:s21] =	ssyncadd.s32 $0xFFFFD800  }
0x5b: {  	_ =	swait.ge [sflag:s6], $0x2800  }
0x5c: {  	[sflag:s6] =	ssyncset.done $0x0  }
0x5d: {  	s14 =	stileid.u32;
	[sflag:s6] =	ssyncadd.s32 $0xFFFFD800  }
0x5e: {  	[spmem:s8] =	stream.indirect.scatter.add.f32 [tilespmem:s28], [sflag:$0x9], $0x80, s31, s24, $0xb8;
	[tilespmem:$0x1C0E0] =	vst v63  }
0x5f: {  	s12 =	sshll.u32 s14, $0x6;
	s10 =	simm.s32 @!p1 $0x8;
	_ =	swait.ge [sflag:s21], $0x2800  }
0x60: {  	s18 =	sshrl.u32 s19, $0x3;
	[sflag:s21] =	ssyncset.done $0x0;
	s13 =	rddreg [dreg:$0x11]  }
0x61: {  	s19 =	sor.u32 $0x1C07, s12;
	s20 =	sadd.s32 $0xFFFFFB00, s13;
	[sflag:s21] =	ssyncadd.s32 $0xFFFFD800  }
0x62: {  	[hbm:s20], [sflag:s19] =	dma.local [spmem:s18], $0x500  }
0x63: {  	_ =	swait.ge @!p1 [sflag:s10], $0x500  }
0x64: {  	[sflag:s10] =	ssyncset.done @!p1 $0x0  }
0x65: {  	s15 =	simm.s32 $0x50;
	[sflag:s10] =	ssyncadd.s32 @!p1 $0xFFFFFB00  }
0x66: {  	[tilespmem:s0], [sflag:$0x4] =	stream.indirect.gather [spmem:s4], $0x80, s15, s24, $0xb8;
	[tilespmem:$0x1C0E0] =	vst v63  }
0x67: {  	s16 =	simm.s32 $0x27D0  }
0x68: {  	[tilespmem:s1], [sflag:$0x5] =	stream.indirect.gather [spmem:s17], $0x80, s16, s24, $0xb8;
	[tilespmem:$0x1C0E0] =	vst v63  }
0x69: {  	s17 =	simm.s32 $0x4F50  }
0x6a: {  	[tilespmem:s2], [sflag:$0x6] =	stream.indirect.gather [spmem:s5], $0x80, s17, s24, $0xb8;
	[tilespmem:$0x1C0E0] =	vst v63  }
0x6b: {  	_ =	swait.ge [sflag:s22], $0x2800  }
0x6c: {  	[sflag:s22] =	ssyncset.done $0x0  }
0x6d: {  	s20 =	rddreg [dreg:$0xb];
	[sflag:s22] =	ssyncadd.s32 $0xFFFFD800  }
0x6e: {  	[spmem:s20] =	stream.linear.scatter [tilespmem:s0], [sflag:$0x9], $0x2800, $0x38;
	[tilespmem:$0x1C0E0] =	vst v63  }
0x6f: {  	_ =	swait.ge [sflag:s21], $0x2800  }
0x70: {  	[sflag:s21] =	ssyncset.done $0x0  }
0x71: {  	[sflag:s21] =	ssyncadd.s32 $0xFFFFD800  }
0x72: {  	_ =	swait.ge [sflag:s23], $0x2800  }
0x73: {  	[sflag:s23] =	ssyncset.done $0x0  }
0x74: {  	[sflag:s23] =	ssyncadd.s32 $0xFFFFD800  }
0x75: {  	[spmem:s8] =	stream.indirect.scatter.add.f32 [tilespmem:s1], [sflag:$0x9], $0x80, s7, s24, $0xb8;
	[tilespmem:$0x1C0E0] =	vst v63  }
0x76: {  	_ =	swait.ge [sflag:s21], $0x2800  }
0x77: {  	[sflag:s21] =	ssyncset.done $0x0  }
0x78: {  	[sflag:s21] =	ssyncadd.s32 $0xFFFFD800  }
0x79: {  	_ =	swait.ge [sflag:s11], $0x2800  }
0x7a: {  	s9 =	sor.u32 $0x1C08, s12;
	[sflag:s11] =	ssyncset.done $0x0  }
0x7b: {  	s12 =	smov.u32 s13;
	s10 =	sadd.s32 $0xA00, s13;
	[sflag:s11] =	ssyncadd.s32 $0xFFFFD800  }
0x7c: {  	[spmem:s8] =	stream.indirect.scatter.add.f32 [tilespmem:s2], [sflag:$0x9], $0x80, s7, s24, $0xb8;
	[tilespmem:$0x1C0E0] =	vst v63  }
0x7d: {  	p1 =	por $0x0, $0x0;
	s15 =	simm.s32 $0x280;
	_ =	swait.ge [sflag:s21], $0x2800  }
0x7e: {  	s17 =	simm.s32 $0x500;
	s20 =	sshrl.u32 s20, $0x3;
	[sflag:s21] =	ssyncset.done $0x0  }
.LBB2_2:
0x7f: {  	s16 =	simm.s32 @!p1 $0x7;
	[sflag:s21] =	ssyncadd.s32 $0xFFFFD800  }
0x80: {  	[hbm:s12], [sflag:s9] =	dma.local [spmem:s20], $0x500  }
0x81: {  	_ =	swait.ge @!p1 [sflag:s16], $0x500  }
0x82: {  	[sflag:s16] =	ssyncset.done @!p1 $0x0  }
0x83: {  	[sflag:s16] =	ssyncadd.s32 @!p1 $0xFFFFFB00  }
0x84: {  	s16 =	sshra.s32 s15, $0x2;
	s5 =	rddreg [dreg:$0x5]  }
0x85: {  	[tilespmem:s25], [sflag:$0x1] =	stream.indirect.gather [spmem:s5], $0x80, s16, s24, $0xb8;
	[tilespmem:$0x1C0E0] =	vst v63  }
0x86: {  	s14 =	sadd.s32 $0x2780, s16;
	s13 =	rddreg [dreg:$0x6]  }
0x87: {  	[tilespmem:s26], [sflag:$0x2] =	stream.indirect.gather [spmem:s13], $0x80, s14, s24, $0xb8;
	[tilespmem:$0x1C0E0] =	vst v63  }
0x88: {  	s4 =	sadd.s32 $0x4F00, s16;
	s14 =	rddreg [dreg:$0x7]  }
0x89: {  	[tilespmem:s28], [sflag:$0x3] =	stream.indirect.gather [spmem:s14], $0x80, s4, s24, $0xb8;
	[tilespmem:$0x1C0E0] =	vst v63  }
0x8a: {  	_ =	swait.ge [sflag:s29], $0x2800  }
0x8b: {  	[sflag:s29] =	ssyncset.done $0x0  }
0x8c: {  	s4 =	rddreg [dreg:$0xa];
	[sflag:s29] =	ssyncadd.s32 $0xFFFFD800  }
0x8d: {  	[spmem:s4] =	stream.linear.scatter [tilespmem:s25], [sflag:$0x9], $0x2800, $0x38;
	[tilespmem:$0x1C0E0] =	vst v63  }
0x8e: {  	_ =	swait.ge [sflag:s21], $0x2800  }
0x8f: {  	[sflag:s21] =	ssyncset.done $0x0  }
0x90: {  	[sflag:s21] =	ssyncadd.s32 $0xFFFFD800  }
0x91: {  	_ =	swait.ge [sflag:s30], $0x2800  }
0x92: {  	[sflag:s30] =	ssyncset.done $0x0  }
0x93: {  	[sflag:s30] =	ssyncadd.s32 $0xFFFFD800  }
0x94: {  	[spmem:s8] =	stream.indirect.scatter.add.f32 [tilespmem:s26], [sflag:$0x9], $0x80, s31, s24, $0xb8;
	[tilespmem:$0x1C0E0] =	vst v63  }
0x95: {  	_ =	swait.ge [sflag:s21], $0x2800  }
0x96: {  	[sflag:s21] =	ssyncset.done $0x0  }
0x97: {  	[sflag:s21] =	ssyncadd.s32 $0xFFFFD800  }
0x98: {  	_ =	swait.ge [sflag:s6], $0x2800  }
0x99: {  	[sflag:s6] =	ssyncset.done $0x0  }
0x9a: {  	[sflag:s6] =	ssyncadd.s32 $0xFFFFD800  }
0x9b: {  	[spmem:s8] =	stream.indirect.scatter.add.f32 [tilespmem:s28], [sflag:$0x9], $0x80, s31, s24, $0xb8;
	[tilespmem:$0x1C0E0] =	vst v63  }
0x9c: {  	s3 =	smov.u32 s17;
	_ =	swait.ge [sflag:s21], $0x2800  }
0x9d: {  	s15 =	smov.u32 s3;
	[sflag:s21] =	ssyncset.done $0x0  }
0x9e: {  	s3 =	sadd.s32 $0xFFFFFB00, s10;
	s4 =	simm.s32 @!p1 $0x8;
	[sflag:s21] =	ssyncadd.s32 $0xFFFFD800  }
0x9f: {  	[hbm:s3], [sflag:s19] =	dma.local [spmem:s18], $0x500  }
0xa0: {  	_ =	swait.ge @!p1 [sflag:s4], $0x500  }
0xa1: {  	[sflag:s4] =	ssyncset.done @!p1 $0x0  }
0xa2: {  	[sflag:s4] =	ssyncadd.s32 @!p1 $0xFFFFFB00;
	s4 =	sadd.s32 $0x50, s16  }
0xa3: {  	[tilespmem:s0], [sflag:$0x4] =	stream.indirect.gather [spmem:s5], $0x80, s4, s24, $0xb8;
	[tilespmem:$0x1C0E0] =	vst v63  }
0xa4: {  	s5 =	sadd.s32 $0x27D0, s16  }
0xa5: {  	[tilespmem:s1], [sflag:$0x5] =	stream.indirect.gather [spmem:s13], $0x80, s5, s24, $0xb8;
	[tilespmem:$0x1C0E0] =	vst v63  }
0xa6: {  	s13 =	sadd.s32 $0x4F50, s16  }
0xa7: {  	[tilespmem:s2], [sflag:$0x6] =	stream.indirect.gather [spmem:s14], $0x80, s13, s24, $0xb8;
	[tilespmem:$0x1C0E0] =	vst v63  }
0xa8: {  	_ =	swait.ge [sflag:s22], $0x2800  }
0xa9: {  	[sflag:s22] =	ssyncset.done $0x0  }
0xaa: {  	s16 =	rddreg [dreg:$0xb];
	[sflag:s22] =	ssyncadd.s32 $0xFFFFD800  }
0xab: {  	[spmem:s16] =	stream.linear.scatter [tilespmem:s0], [sflag:$0x9], $0x2800, $0x38;
	[tilespmem:$0x1C0E0] =	vst v63  }
0xac: {  	_ =	swait.ge [sflag:s21], $0x2800  }
0xad: {  	[sflag:s21] =	ssyncset.done $0x0  }
0xae: {  	[sflag:s21] =	ssyncadd.s32 $0xFFFFD800  }
0xaf: {  	_ =	swait.ge [sflag:s23], $0x2800  }
0xb0: {  	[sflag:s23] =	ssyncset.done $0x0  }
0xb1: {  	[sflag:s23] =	ssyncadd.s32 $0xFFFFD800  }
0xb2: {  	[spmem:s8] =	stream.indirect.scatter.add.f32 [tilespmem:s1], [sflag:$0x9], $0x80, s7, s24, $0xb8;
	[tilespmem:$0x1C0E0] =	vst v63  }
0xb3: {  	_ =	swait.ge [sflag:s21], $0x2800  }
0xb4: {  	[sflag:s21] =	ssyncset.done $0x0  }
0xb5: {  	s17 =	sadd.s32 $0x280, s17;
	[sflag:s21] =	ssyncadd.s32 $0xFFFFD800  }
0xb6: {  	p2 =	sne.s32 s17, $0x9B00;
	_ =	swait.ge [sflag:s11], $0x2800  }
.Ltmp0:
0xb7: {  	[sflag:s11] =	ssyncset.done $0x0;
	(pc) =	sbr.rel @p2 .LBB2_2-.Ltmp0, $4  }
0xb8: {  	[sflag:s11] =	ssyncadd.s32 $0xFFFFD800  }
0xb9: {  	[spmem:s8] =	stream.indirect.scatter.add.f32 [tilespmem:s2], [sflag:$0x9], $0x80, s7, s24, $0xb8;
	[tilespmem:$0x1C0E0] =	vst v63  }
0xba: {  	s12 =	smov.u32 s10;
	_ =	swait.ge [sflag:s21], $0x2800  }
0xbb: {  	s10 =	sadd.s32 $0xA00, s10;
	p1 =	seq.s32 s15, $0x0;
	[sflag:s21] =	ssyncset.done $0x0  }
0xbc: {  	[sflag:s21] =	ssyncadd.s32 $0xFFFFD800;
	s3 =	simm.s32 @!p1 $0x7  }
0xbd: {  	[hbm:s12], [sflag:s9] =	dma.local [spmem:s20], $0x500  }
0xbe: {  	_ =	swait.ge @!p1 [sflag:s3], $0x500  }
0xbf: {  	[sflag:s3] =	ssyncset.done @!p1 $0x0  }
0xc0: {  	[sflag:s3] =	ssyncadd.s32 @!p1 $0xFFFFFB00  }
0xc1: {  	s3 =	sshra.s32 s15, $0x2;
	s5 =	rddreg [dreg:$0x5]  }
0xc2: {  	[tilespmem:s25], [sflag:$0x1] =	stream.indirect.gather [spmem:s5], $0x80, s3, s24, $0xb8;
	[tilespmem:$0x1C0E0] =	vst v63  }
0xc3: {  	s4 =	sadd.s32 $0x2780, s3;
	s12 =	rddreg [dreg:$0x6]  }
0xc4: {  	[tilespmem:s26], [sflag:$0x2] =	stream.indirect.gather [spmem:s12], $0x80, s4, s24, $0xb8;
	[tilespmem:$0x1C0E0] =	vst v63  }
0xc5: {  	s14 =	sadd.s32 $0x4F00, s3;
	s13 =	rddreg [dreg:$0x7]  }
0xc6: {  	[tilespmem:s28], [sflag:$0x3] =	stream.indirect.gather [spmem:s13], $0x80, s14, s24, $0xb8;
	[tilespmem:$0x1C0E0] =	vst v63  }
0xc7: {  	_ =	swait.ge [sflag:s29], $0x2800  }
0xc8: {  	[sflag:s29] =	ssyncset.done $0x0  }
0xc9: {  	s14 =	rddreg [dreg:$0xa];
	[sflag:s29] =	ssyncadd.s32 $0xFFFFD800  }
0xca: {  	[spmem:s14] =	stream.linear.scatter [tilespmem:s25], [sflag:$0x9], $0x2800, $0x38;
	[tilespmem:$0x1C0E0] =	vst v63  }
0xcb: {  	_ =	swait.ge [sflag:s21], $0x2800  }
0xcc: {  	[sflag:s21] =	ssyncset.done $0x0  }
0xcd: {  	[sflag:s21] =	ssyncadd.s32 $0xFFFFD800  }
0xce: {  	_ =	swait.ge [sflag:s30], $0x2800  }
0xcf: {  	[sflag:s30] =	ssyncset.done $0x0  }
0xd0: {  	[sflag:s30] =	ssyncadd.s32 $0xFFFFD800  }
0xd1: {  	[spmem:s8] =	stream.indirect.scatter.add.f32 [tilespmem:s26], [sflag:$0x9], $0x80, s31, s24, $0xb8;
	[tilespmem:$0x1C0E0] =	vst v63  }
0xd2: {  	_ =	swait.ge [sflag:s21], $0x2800  }
0xd3: {  	[sflag:s21] =	ssyncset.done $0x0  }
0xd4: {  	[sflag:s21] =	ssyncadd.s32 $0xFFFFD800  }
0xd5: {  	_ =	swait.ge [sflag:s6], $0x2800  }
0xd6: {  	[sflag:s6] =	ssyncset.done $0x0  }
0xd7: {  	[sflag:s6] =	ssyncadd.s32 $0xFFFFD800  }
0xd8: {  	[spmem:s8] =	stream.indirect.scatter.add.f32 [tilespmem:s28], [sflag:$0x9], $0x80, s31, s24, $0xb8;
	[tilespmem:$0x1C0E0] =	vst v63  }
0xd9: {  	_ =	swait.ge [sflag:s21], $0x2800  }
0xda: {  	[sflag:s21] =	ssyncset.done $0x0  }
0xdb: {  	s15 =	sadd.s32 $0xFFFFFB00, s10;
	s4 =	simm.s32 @!p1 $0x8;
	[sflag:s21] =	ssyncadd.s32 $0xFFFFD800  }
0xdc: {  	[hbm:s15], [sflag:s19] =	dma.local [spmem:s18], $0x500  }
0xdd: {  	_ =	swait.ge @!p1 [sflag:s4], $0x500  }
0xde: {  	[sflag:s4] =	ssyncset.done @!p1 $0x0  }
0xdf: {  	s16 =	sadd.s32 $0x50, s3;
	[sflag:s4] =	ssyncadd.s32 @!p1 $0xFFFFFB00  }
0xe0: {  	[tilespmem:s0], [sflag:$0x4] =	stream.indirect.gather [spmem:s5], $0x80, s16, s24, $0xb8;
	[tilespmem:$0x1C0E0] =	vst v63  }
0xe1: {  	s17 =	sadd.s32 $0x27D0, s3  }
0xe2: {  	[tilespmem:s1], [sflag:$0x5] =	stream.indirect.gather [spmem:s12], $0x80, s17, s24, $0xb8;
	[tilespmem:$0x1C0E0] =	vst v63  }
0xe3: {  	s3 =	sadd.s32 $0x4F50, s3  }
0xe4: {  	[tilespmem:s2], [sflag:$0x6] =	stream.indirect.gather [spmem:s13], $0x80, s3, s24, $0xb8;
	[tilespmem:$0x1C0E0] =	vst v63  }
0xe5: {  	_ =	swait.ge [sflag:s22], $0x2800  }
0xe6: {  	[sflag:s22] =	ssyncset.done $0x0  }
0xe7: {  	s4 =	rddreg [dreg:$0xb];
	[sflag:s22] =	ssyncadd.s32 $0xFFFFD800  }
0xe8: {  	[spmem:s4] =	stream.linear.scatter [tilespmem:s0], [sflag:$0x9], $0x2800, $0x38;
	[tilespmem:$0x1C0E0] =	vst v63  }
0xe9: {  	_ =	swait.ge [sflag:s21], $0x2800  }
0xea: {  	[sflag:s21] =	ssyncset.done $0x0  }
0xeb: {  	[sflag:s21] =	ssyncadd.s32 $0xFFFFD800  }
0xec: {  	_ =	swait.ge [sflag:s23], $0x2800  }
0xed: {  	[sflag:s23] =	ssyncset.done $0x0  }
0xee: {  	[sflag:s23] =	ssyncadd.s32 $0xFFFFD800  }
0xef: {  	[spmem:s8] =	stream.indirect.scatter.add.f32 [tilespmem:s1], [sflag:$0x9], $0x80, s7, s24, $0xb8;
	[tilespmem:$0x1C0E0] =	vst v63  }
0xf0: {  	_ =	swait.ge [sflag:s21], $0x2800  }
0xf1: {  	[sflag:s21] =	ssyncset.done $0x0  }
0xf2: {  	[sflag:s21] =	ssyncadd.s32 $0xFFFFD800  }
0xf3: {  	_ =	swait.ge [sflag:s11], $0x2800  }
0xf4: {  	[sflag:s11] =	ssyncset.done $0x0  }
0xf5: {  	[sflag:s11] =	ssyncadd.s32 $0xFFFFD800  }
0xf6: {  	[spmem:s8] =	stream.indirect.scatter.add.f32 [tilespmem:s2], [sflag:$0x9], $0x80, s7, s24, $0xb8;
	[tilespmem:$0x1C0E0] =	vst v63  }
0xf7: {  	_ =	swait.ge [sflag:s21], $0x2800  }
0xf8: {  	[sflag:s21] =	ssyncset.done $0x0  }
0xf9: {  	[sflag:s21] =	ssyncadd.s32 $0xFFFFD800  }
0xfa: {  	[hbm:s10], [sflag:s9] =	dma.local [spmem:s20], $0x500  }
0xfb: {  	s9 =	simm.s32 $0x7  }
0xfc: {  	_ =	swait.ge [sflag:s9], $0x500  }
0xfd: {  	[sflag:s9] =	ssyncset.done $0x0  }
0xfe: {  	s10 =	simm.s32 $0x26C0;
	[sflag:s9] =	ssyncadd.s32 $0xFFFFFB00  }
0xff: {  	[tilespmem:s25], [sflag:$0x1] =	stream.indirect.gather [spmem:s5], $0x80, s10, s24, $0xb8;
	[tilespmem:$0x1C0E0] =	vst v63  }
0x100: {  	s15 =	simm.s32 $0x4E40  }
0x101: {  	[tilespmem:s26], [sflag:$0x2] =	stream.indirect.gather [spmem:s12], $0x80, s15, s24, $0xb8;
	[tilespmem:$0x1C0E0] =	vst v63  }
0x102: {  	s16 =	simm.s32 $0x75C0  }
0x103: {  	[tilespmem:s28], [sflag:$0x3] =	stream.indirect.gather [spmem:s13], $0x80, s16, s24, $0xb8;
	[tilespmem:$0x1C0E0] =	vst v63  }
0x104: {  	_ =	swait.ge [sflag:s29], $0x2800  }
0x105: {  	[sflag:s29] =	ssyncset.done $0x0  }
0x106: {  	[sflag:s29] =	ssyncadd.s32 $0xFFFFD800  }
0x107: {  	[spmem:s14] =	stream.linear.scatter [tilespmem:s25], [sflag:$0x9], $0x2800, $0x38;
	[tilespmem:$0x1C0E0] =	vst v63  }
0x108: {  	_ =	swait.ge [sflag:s21], $0x2800  }
0x109: {  	[sflag:s21] =	ssyncset.done $0x0  }
0x10a: {  	[sflag:s21] =	ssyncadd.s32 $0xFFFFD800  }
0x10b: {  	_ =	swait.ge [sflag:s30], $0x2800  }
0x10c: {  	[sflag:s30] =	ssyncset.done $0x0  }
0x10d: {  	[sflag:s30] =	ssyncadd.s32 $0xFFFFD800  }
0x10e: {  	[spmem:s8] =	stream.indirect.scatter.add.f32 [tilespmem:s26], [sflag:$0x9], $0x80, s31, s24, $0xb8;
	[tilespmem:$0x1C0E0] =	vst v63  }
0x10f: {  	_ =	swait.ge [sflag:s21], $0x2800  }
0x110: {  	[sflag:s21] =	ssyncset.done $0x0  }
0x111: {  	[sflag:s21] =	ssyncadd.s32 $0xFFFFD800  }
0x112: {  	_ =	swait.ge [sflag:s6], $0x2800  }
0x113: {  	[sflag:s6] =	ssyncset.done $0x0  }
0x114: {  	[sflag:s6] =	ssyncadd.s32 $0xFFFFD800  }
0x115: {  	[spmem:s8] =	stream.indirect.scatter.add.f32 [tilespmem:s28], [sflag:$0x9], $0x80, s31, s24, $0xb8;
	[tilespmem:$0x1C0E0] =	vst v63  }
0x116: {  	_ =	swait.ge [sflag:s21], $0x2800  }
0x117: {  	[sflag:s21] =	ssyncset.done $0x0  }
0x118: {  	s17 =	rddreg [dreg:$0xf];
	[sflag:s21] =	ssyncadd.s32 $0xFFFFD800  }
0x119: {  	[hbm:s17], [sflag:s19] =	dma.local [spmem:s18], $0x500  }
0x11a: {  	_ =	swait.ge [sflag:s9], $0x500  }
0x11b: {  	[sflag:s9] =	ssyncset.done $0x0  }
0x11c: {  	s18 =	simm.s32 $0x8;
	[sflag:s9] =	ssyncadd.s32 $0xFFFFFB00  }
0x11d: {  	_ =	swait.ge [sflag:s18], $0x500  }
0x11e: {  	s19 =	rddreg [dreg:$0x15]  }
0x11f: {  	s20 =	rddreg [dreg:$0x10];
	s5 =	sadd.s32 $0x1, s19  }
0x120: {  	p1 =	sne.s32 s5, s20  }
.Ltmp1:
0x121: {  	_ = 	snop;
	(pc) =	sbr.rel @p1 .LBB2_1-.Ltmp1, $3  }
0x122: {  	_ =	sdelay $0x1  }
0x123: {  	[sflag:s18] =	ssyncset.done $0x0  }
0x124: {  	[sflag:s18] =	ssyncadd.s32 $0xFFFFFB00  }
0x125: {  	_ =	sfence.sel $0x180000  }
0x126: {  	[bflag:$0x0] =	sbarrier.arrive $0xFFFF  }
0x127: {  	_ =	strace $0x90000047  }
0x128: {  	[bflag:$0x2] =	sbarrier.arrive $0xFFFF  }
0x129: {  	s0 =	rddreg [dreg:$0x9]  }
0x12a: {  	s0 =	sadd.s32 @!p0 $0x100000, s0  }
0x12b: {  	[sflag:s0] =	ssyncadd.tile.s32 @!p0 $0x1;
	_ =	shalt  }
.Lfunc_end2:
_tile_overlayer_lowered:
.L_overlay_start_2:
0x12c: {  	(tag) =	ssettag $0x2  }
0x12d: {  	s0 =	rddreg [dreg:$0x0];
	s2 =	stileid.u32  }
0x12e: {  	s1 =	rddreg [dreg:$0x1];
	p0 =	sne.s32 s2, $0x0  }
0x12f: {  	s3 =	rddreg [dreg:$0x2];
	[bflag:$0x3] =	sbarrier.arrive $0xFFFF;
	s2 =	simm.s32 @!p0 $0x1C09  }
0x130: {  	[timem:s3], [sflag:s2] =	dma.local @!p0 [hbm:s0], s1  }
0x131: {  	s0 =	simm.s32 @!p0 $0x9  }
0x132: {  	_ =	swait.ge @!p0 [sflag:s0], s1  }
0x133: {  	s1 =	ssub.s32 @!p0 $0x0, s1;
	[sflag:s0] =	ssyncset.done @!p0 $0x0  }
0x134: {  	[sflag:s0] =	ssyncadd.s32 @!p0 s1  }
0x135: {  	[bflag:$0x3] =	sbarrier.arrive $0xFFFF  }
0x136: {  	_ =	shalt  }

</sc_bundles>
